<compile_context>
chip_gen: v7x
topology: tpu7x:2x2x1
jax: 0.10.2.dev20260603
libtpu: 0.0.44.dev20260713+nightly
codegen_flags: <defaults>
</compile_context>

<pallas_src>
import functools

import jax
import jax.numpy as jnp
from jax.experimental import pallas as pl
from jax.experimental.pallas import tpu as pltpu
from jax.experimental.pallas import tpu_sc as plsc

B, N, M = 4, 4096, 1024
C = 256
IN_C = 2 * C
EPS_BN = 1e-5

TN_NN = 1024
TN_MM = 1024
NW = 32
GW = 128


def _nn_body(src_ref, dstT_ref, fd_ref, idx_ref, w_ref, tab_ref):
    b = pl.program_id(0)
    s = src_ref[0]
    t = dstT_ref[0]

    x = fd_ref[0].T
    v = jax.lax.bitcast_convert_type(x, jnp.int32)
    r = ((v >> 16) & 1) + jnp.int32(0x7FFF)
    b16 = ((v + r) >> 16) & jnp.int32(0xFFFF)
    half = C // 2
    tab_ref[...] = b16[:, :half] | (b16[:, half:] << 16)
    dx = s[:, 0:1] - t[0:1, :]
    dy = s[:, 1:2] - t[1:2, :]
    dz = s[:, 2:3] - t[2:3, :]
    d2 = dx * dx + dy * dy + dz * dz
    inf = jnp.float32(jnp.inf)
    v1 = jnp.min(d2, axis=1, keepdims=True)
    v2 = jnp.min(jnp.where(d2 > v1, d2, inf), axis=1, keepdims=True)
    v3 = jnp.min(jnp.where(d2 > v2, d2, inf), axis=1, keepdims=True)
    iota = jax.lax.broadcasted_iota(jnp.int32, d2.shape, 1).astype(jnp.float32)
    i1 = jnp.sum(jnp.where(d2 == v1, iota, 0.0), axis=1, keepdims=True)
    i2 = jnp.sum(jnp.where(d2 == v2, iota, 0.0), axis=1, keepdims=True)
    i3 = jnp.sum(jnp.where(d2 == v3, iota, 0.0), axis=1, keepdims=True)
    ii = jnp.concatenate([i1, i2, i3], axis=1).astype(jnp.int32)
    ii = jnp.minimum(ii, M - 1)
    vv = jnp.concatenate([v1, v2, v3], axis=1)
    d3 = jnp.sqrt(vv) + 1e-8
    w = 1.0 / d3
    w = w / jnp.sum(w, axis=1, keepdims=True)
    idx_ref[0] = ii.T + b * M
    w_ref[0] = w


def _three_nn(xyz_src, xyz_dstT, feat_dst):
    steps = N // TN_NN
    TM = M // steps
    return pl.pallas_call(
        _nn_body,
        grid=(B, steps),
        in_specs=[
            pl.BlockSpec((1, TN_NN, 3), lambda b, i: (b, i, 0)),
            pl.BlockSpec((1, 3, M), lambda b, i: (b, 0, 0)),
            pl.BlockSpec((1, C, TM), lambda b, i: (b, 0, i)),
        ],
        out_specs=[
            pl.BlockSpec((1, 3, TN_NN), lambda b, i: (b, 0, i)),
            pl.BlockSpec((1, TN_NN, 3), lambda b, i: (b, i, 0)),
            pl.BlockSpec((TM, C // 2), lambda b, i, s=steps: (b * s + i, 0)),
        ],
        out_shape=[
            jax.ShapeDtypeStruct((B, 3, N), jnp.int32),
            jax.ShapeDtypeStruct((B, N, 3), jnp.float32),
            jax.ShapeDtypeStruct((B * M, C // 2), jnp.int32),
        ],
    )(xyz_src, xyz_dstT, feat_dst)


def _sc_gather(table, gidx):
    NI = gidx.shape[0]
    per_w = NI // NW
    nch = per_w // GW
    mesh = plsc.VectorSubcoreMesh(core_axis_name="c", subcore_axis_name="s")

    @functools.partial(
        pl.kernel,
        mesh=mesh,
        out_type=jax.ShapeDtypeStruct((NI, C // 2), jnp.int32),
        scratch_types=[
            pltpu.VMEM((per_w,), jnp.int32),
            pltpu.VMEM((GW, C // 2), jnp.int32),
            pltpu.VMEM((GW, C // 2), jnp.int32),
            pltpu.SemaphoreType.DMA,
            pltpu.SemaphoreType.DMA,
            pltpu.SemaphoreType.DMA,
            pltpu.SemaphoreType.DMA,
        ],
    )
    def k(table_hbm, idx_hbm, out_hbm, idx_v, rows0, rows1,
          gsem0, gsem1, wsem0, wsem1):
        wid = jax.lax.axis_index("s") * 2 + jax.lax.axis_index("c")
        base = wid * per_w
        pltpu.sync_copy(idx_hbm.at[pl.ds(base, per_w)], idx_v)
        rows = (rows0, rows1)
        gsem = (gsem0, gsem1)
        wsem = (wsem0, wsem1)
        gcp = [None, None]
        wcp = [None, None]
        for c in range(nch):
            s = c % 2
            if c >= 2:
                wcp[s].wait()
            gcp[s] = pltpu.async_copy(
                table_hbm.at[idx_v.at[pl.ds(c * GW, GW)]], rows[s], gsem[s])
            if c >= 1:
                t = (c - 1) % 2
                gcp[t].wait()
                wcp[t] = pltpu.async_copy(
                    rows[t], out_hbm.at[pl.ds(base + (c - 1) * GW, GW)],
                    wsem[t])
        s = (nch - 1) % 2
        gcp[s].wait()
        pltpu.sync_copy(rows[s], out_hbm.at[pl.ds(base + (nch - 1) * GW, GW)])
        wcp[(nch - 2) % 2].wait()

    return k(table, gidx)


def _l1a_body(fsrc_ref, wbt_ref, p_ref):
    ft = fsrc_ref[0].T
    p_ref[0] = jnp.dot(ft.astype(jnp.bfloat16), wbt_ref[...],
                       preferred_element_type=jnp.float32)


def _layer1a(feat_src, W0bT16):
    steps = N // TN_MM
    return pl.pallas_call(
        _l1a_body,
        grid=(B, steps),
        in_specs=[
            pl.BlockSpec((1, C, TN_MM), lambda b, i: (b, 0, i)),
            pl.BlockSpec((C, C), lambda b, i: (0, 0)),
        ],
        out_specs=pl.BlockSpec((1, TN_MM, C), lambda b, i: (b, i, 0)),
        out_shape=jax.ShapeDtypeStruct((B, N, C), jnp.float32),
    )(feat_src, W0bT16)


def _l1b_body(g_ref, w_ref, part_ref, wae_ref, wao_ref, b0_ref,
              y_ref, ps_ref, pss_ref):
    w = w_ref[0]
    g = g_ref[0]
    ge = jax.lax.bitcast_convert_type(g << 16, jnp.float32)
    go = jax.lax.bitcast_convert_type(g & jnp.int32(-65536), jnp.float32)
    ie = (ge[0] * w[:, 0:1] + ge[1] * w[:, 1:2] + ge[2] * w[:, 2:3])
    io = (go[0] * w[:, 0:1] + go[1] * w[:, 1:2] + go[2] * w[:, 2:3])
    y = jnp.dot(ie.astype(jnp.bfloat16), wae_ref[...],
                preferred_element_type=jnp.float32)
    y = y + jnp.dot(io.astype(jnp.bfloat16), wao_ref[...],
                    preferred_element_type=jnp.float32)
    y = y + part_ref[0] + b0_ref[...]
    y_ref[0] = y

    @pl.when((pl.program_id(0) == 0) & (pl.program_id(1) == 0))
    def _():
        ps_ref[...] = jnp.zeros_like(ps_ref)
        pss_ref[...] = jnp.zeros_like(pss_ref)

    ps_ref[...] += jnp.sum(y, axis=0, keepdims=True)
    pss_ref[...] += jnp.sum(y * y, axis=0, keepdims=True)


def _layer1b(gathered, w, part, WaE16, WaO16, b0row):
    steps = N // TN_MM
    return pl.pallas_call(
        _l1b_body,
        grid=(B, steps),
        in_specs=[
            pl.BlockSpec((1, 3, TN_MM, C // 2), lambda b, i: (b, 0, i, 0)),
            pl.BlockSpec((1, TN_MM, 3), lambda b, i: (b, i, 0)),
            pl.BlockSpec((1, TN_MM, C), lambda b, i: (b, i, 0)),
            pl.BlockSpec((C // 2, C), lambda b, i: (0, 0)),
            pl.BlockSpec((C // 2, C), lambda b, i: (0, 0)),
            pl.BlockSpec((1, C), lambda b, i: (0, 0)),
        ],
        out_specs=[
            pl.BlockSpec((1, TN_MM, C), lambda b, i: (b, i, 0)),
            pl.BlockSpec((1, C), lambda b, i: (0, 0)),
            pl.BlockSpec((1, C), lambda b, i: (0, 0)),
        ],
        out_shape=[
            jax.ShapeDtypeStruct((B, N, C), jnp.float32),
            jax.ShapeDtypeStruct((1, C), jnp.float32),
            jax.ShapeDtypeStruct((1, C), jnp.float32),
        ],
    )(gathered, w, part, WaE16, WaO16, b0row)


def _l2_body(y0_ref, sc_ref, sh_ref, w1t_ref, b1_ref, y_ref, ps_ref, pss_ref):
    h = jnp.maximum(y0_ref[0] * sc_ref[...] + sh_ref[...], 0.0)
    y = jnp.dot(h.astype(jnp.bfloat16), w1t_ref[...],
                preferred_element_type=jnp.float32)
    y = y + b1_ref[...]
    y_ref[0] = y.T

    @pl.when((pl.program_id(0) == 0) & (pl.program_id(1) == 0))
    def _():
        ps_ref[...] = jnp.zeros_like(ps_ref)
        pss_ref[...] = jnp.zeros_like(pss_ref)

    ps_ref[...] += jnp.sum(y, axis=0, keepdims=True)
    pss_ref[...] += jnp.sum(y * y, axis=0, keepdims=True)


def _layer2(y0, sc0, sh0, W1T16, b1row):
    steps = N // TN_MM
    return pl.pallas_call(
        _l2_body,
        grid=(B, steps),
        in_specs=[
            pl.BlockSpec((1, TN_MM, C), lambda b, i: (b, i, 0)),
            pl.BlockSpec((1, C), lambda b, i: (0, 0)),
            pl.BlockSpec((1, C), lambda b, i: (0, 0)),
            pl.BlockSpec((C, C), lambda b, i: (0, 0)),
            pl.BlockSpec((1, C), lambda b, i: (0, 0)),
        ],
        out_specs=[
            pl.BlockSpec((1, C, TN_MM), lambda b, i: (b, 0, i)),
            pl.BlockSpec((1, C), lambda b, i: (0, 0)),
            pl.BlockSpec((1, C), lambda b, i: (0, 0)),
        ],
        out_shape=[
            jax.ShapeDtypeStruct((B, C, N), jnp.float32),
            jax.ShapeDtypeStruct((1, C), jnp.float32),
            jax.ShapeDtypeStruct((1, C), jnp.float32),
        ],
    )(y0, sc0, sh0, W1T16, b1row)


def _out_body(y1_ref, sc_ref, sh_ref, o_ref):
    o_ref[0] = jnp.maximum(y1_ref[0] * sc_ref[...] + sh_ref[...], 0.0)


def _finalize(y1, sc1, sh1):
    TF = 2048
    return pl.pallas_call(
        _out_body,
        grid=(B, N // TF),
        in_specs=[
            pl.BlockSpec((1, C, TF), lambda b, i: (b, 0, i)),
            pl.BlockSpec((C, 1), lambda b, i: (0, 0)),
            pl.BlockSpec((C, 1), lambda b, i: (0, 0)),
        ],
        out_specs=pl.BlockSpec((1, C, TF), lambda b, i: (b, 0, i)),
        out_shape=jax.ShapeDtypeStruct((B, C, N), jnp.float32),
    )(y1, sc1, sh1)


def kernel(xyz_src, xyz_dst, feat_src, feat_dst,
           W0, b0, gamma0, beta0, W1, b1, gamma1, beta1):
    xyz_dstT = jnp.transpose(xyz_dst, (0, 2, 1))
    W0T = W0.T
    WaE16 = W0T[:C // 2].astype(jnp.bfloat16)
    WaO16 = W0T[C // 2:C].astype(jnp.bfloat16)
    W0bT16 = W0T[C:].astype(jnp.bfloat16)

    idxT, w, table32 = _three_nn(xyz_src, xyz_dstT, feat_dst)
    g32 = _sc_gather(table32, idxT.reshape(B * 3 * N))
    gathered = g32.reshape(B, 3, N, C // 2)

    part = _layer1a(feat_src, W0bT16)
    y0, ps0, pss0 = _layer1b(gathered, w, part,
                             WaE16, WaO16, b0.reshape(1, C))

    n = jnp.float32(B * N)
    mu0 = ps0 / n
    var0 = pss0 / n - mu0 * mu0
    sc0 = gamma0.reshape(1, C) / jnp.sqrt(var0 + EPS_BN)
    sh0 = beta0.reshape(1, C) - mu0 * sc0

    y1, ps1, pss1 = _layer2(y0, sc0, sh0,
                            W1.T.astype(jnp.bfloat16), b1.reshape(1, C))
    mu1 = ps1 / n
    var1 = pss1 / n - mu1 * mu1
    sc1 = gamma1.reshape(1, C) / jnp.sqrt(var1 + EPS_BN)
    sh1 = beta1.reshape(1, C) - mu1 * sc1

    return _finalize(y1, sc1.reshape(C, 1), sh1.reshape(C, 1))

# --- scband reference (transcript-rebuilt; emitter-appended) ---
"""Pipeline reference for scband-fp-8186207666668 (READ-ONLY COPY).

The authoritative reference and input builder live on the scoring server;
editing this copy changes nothing except your own understanding.
"""

import jax, jax.numpy as jnp
import numpy as np

B, N, M = 4, 4096, 1024
C_SRC, C_DST = 256, 256
IN_C = C_SRC + C_DST
MLP = [256, 256]
EPS_BN = 1e-5


def setup_inputs(seed: int = 0) -> dict:
    key = jax.random.key(seed)
    ks = jax.random.split(key, 12)
    inp = {
        'xyz_src': jax.random.uniform(ks[0], (B, N, 3), dtype=jnp.float32),
        'xyz_dst': jax.random.uniform(ks[1], (B, M, 3), dtype=jnp.float32),
        'feat_src': jax.random.normal(ks[2], (B, C_SRC, N), dtype=jnp.float32),
        'feat_dst': jax.random.normal(ks[3], (B, C_DST, M), dtype=jnp.float32),
    }
    last_c = IN_C
    for i, out_c in enumerate(MLP):
        std = 1.0 / np.sqrt(last_c)
        inp[f'W{i}'] = jax.random.uniform(ks[4 + 2 * i], (out_c, last_c), jnp.float32, -std, std)
        inp[f'b{i}'] = jax.random.uniform(ks[5 + 2 * i], (out_c,), jnp.float32, -std, std)
        inp[f'gamma{i}'] = jnp.ones((out_c,), jnp.float32)
        inp[f'beta{i}'] = jnp.zeros((out_c,), jnp.float32)
        last_c = out_c
    return inp


def _three_nn_interpolate(xyz_src, xyz_dst, feat_dst):
    diff = xyz_src[:, :, None, :] - xyz_dst[:, None, :, :]
    d = jnp.sqrt(jnp.sum(diff * diff, axis=-1)) + 1e-08  # [B, N, M]
    neg_d3, idx = jax.lax.top_k(-d, 3)                   # smallest 3
    d3 = jnp.take_along_axis(d, idx, axis=2)             # [B, N, 3]
    w = 1.0 / d3
    w = w / jnp.sum(w, axis=2, keepdims=True)            # [B, N, 3]
    feat_dst_perm = jnp.transpose(feat_dst, (0, 2, 1))   # [B, M, C]
    bidx = jnp.arange(xyz_src.shape[0])[:, None, None]
    gathered = feat_dst_perm[bidx, idx, :]               # [B, N, 3, C]
    gathered = jnp.transpose(gathered, (0, 3, 1, 2))     # [B, C, N, 3]
    return jnp.sum(gathered * w[:, None, :, :], axis=3)  # [B, C, N]


def _conv_bn_relu(x, W, b, gamma, beta):
    y = jnp.einsum('bcn,oc->bon', x, W) + b[None, :, None]
    mu = jnp.mean(y, axis=(0, 2), keepdims=True)
    var = jnp.mean((y - mu) ** 2, axis=(0, 2), keepdims=True)
    yhat = (y - mu) / jnp.sqrt(var + EPS_BN)
    yhat = yhat * gamma[None, :, None] + beta[None, :, None]
    return jnp.maximum(yhat, 0.0)


def reference(xyz_src, xyz_dst, feat_src, feat_dst,
              W0, b0, gamma0, beta0, W1, b1, gamma1, beta1):
    interpolated = _three_nn_interpolate(xyz_src, xyz_dst, feat_dst)
    fused = jnp.concatenate([interpolated, feat_src], axis=1)  # [B, IN_C, N]
    h = _conv_bn_relu(fused, W0, b0, gamma0, beta0)
    h = _conv_bn_relu(h, W1, b1, gamma1, beta1)
    return h

if __name__ == "__main__":
    import jax
    _d = setup_inputs()
    print(jax.jit(kernel)(*tuple(_d.values())))

</pallas_src>

<mosaic_0001>
#map = affine_map<(d0, d1) -> (0, 0)>
#map1 = affine_map<(d0, d1) -> (0)>
module attributes {stable_mosaic.version = 14 : i64} {
  func.func @k(%arg0: i32, %arg1: i32, %arg2: memref<4096x128xi32, #tpu.memory_space<hbm>>, %arg3: memref<49152xi32, #tpu.memory_space<hbm>>, %arg4: memref<49152x128xi32, #tpu.memory_space<hbm>>, %arg5: memref<1536xi32, #tpu.memory_space<vmem>>, %arg6: memref<128x128xi32, #tpu.memory_space<vmem>>, %arg7: memref<128x128xi32, #tpu.memory_space<vmem>>, %arg8: memref<!tpu.dma_semaphore, #tpu.memory_space<semaphore_mem>>, %arg9: memref<!tpu.dma_semaphore, #tpu.memory_space<semaphore_mem>>, %arg10: memref<!tpu.dma_semaphore, #tpu.memory_space<semaphore_mem>>, %arg11: memref<!tpu.dma_semaphore, #tpu.memory_space<semaphore_mem>>) attributes {dimension_semantics = [#tpu.dimension_semantics<core_parallel>, #tpu.dimension_semantics<subcore_parallel>], iteration_bounds = array<i64: 2, 16>, scalar_prefetch = 0 : i64, scratch_operands = 7 : i64, tpu.core_type = #tpu.core_type<sc_vector_subcore>, window_params = [{transform_indices = #map}, {transform_indices = #map1}, {transform_indices = #map}]} {
    %mul3A = arith.constant 2 : i32
    %mul3A_0 = arith.muli %arg1, %mul3A : i32
    %add3A = arith.addi %mul3A_0, %arg0 : i32
    %mul3A_1 = arith.constant 1536 : i32
    %mul3A_2 = arith.muli %add3A, %mul3A_1 : i32
    "tpu.region"() ({
      %run_scoped3A = tpu.sem_alloc : memref<!tpu.dma_semaphore, #tpu.memory_space<semaphore_mem>>
      %dma_start3A_233 = tpu.memref_slice %arg3[%mul3A_2] : memref<49152xi32, #tpu.memory_space<hbm>> -> memref<1536xi32, #tpu.memory_space<hbm>>
      %dma_start3A_234 = tpu.memref_slice %arg3[%mul3A_2] : memref<49152xi32, #tpu.memory_space<hbm>> -> memref<1536xi32, #tpu.memory_space<hbm>>
      tpu.enqueue_dma source(%dma_start3A_234 : memref<1536xi32, #tpu.memory_space<hbm>>) target(%arg5 : memref<1536xi32, #tpu.memory_space<vmem>>) target_semaphore(%run_scoped3A : memref<!tpu.dma_semaphore, #tpu.memory_space<semaphore_mem>>)
      %dma_wait3A_235 = tpu.memref_slice %arg3[%mul3A_2] : memref<49152xi32, #tpu.memory_space<hbm>> -> memref<1536xi32, #tpu.memory_space<hbm>>
      %dma_wait3A_236 = tpu.memref_slice %arg3[%mul3A_2] : memref<49152xi32, #tpu.memory_space<hbm>> -> memref<1536xi32, #tpu.memory_space<hbm>>
      tpu.wait_dma2 semaphore(%run_scoped3A : memref<!tpu.dma_semaphore, #tpu.memory_space<semaphore_mem>>) src(%dma_wait3A_236 : memref<1536xi32, #tpu.memory_space<hbm>>) dst(%arg5 : memref<1536xi32, #tpu.memory_space<vmem>>)
      tpu.yield
    }) : () -> ()
    %dma_start3A = arith.constant 0 : i32
    %dma_start3A_3 = tpu.memref_slice %arg5[%dma_start3A] : memref<1536xi32, #tpu.memory_space<vmem>> -> memref<128xi32, #tpu.memory_space<vmem>>
    %dma_start3A_4 = arith.constant 0 : i32
    %dma_start3A_5 = arith.constant 0 : i32
    %dma_start3A_6 = tpu.memref_slice %arg2[%dma_start3A_4, %dma_start3A_5] : memref<4096x128xi32, #tpu.memory_space<hbm>> -> memref<4096x128xi32, #tpu.memory_space<hbm>>
    tpu.enqueue_indirect_dma source(%dma_start3A_6 : memref<4096x128xi32, #tpu.memory_space<hbm>>) target(%arg6 : memref<128x128xi32, #tpu.memory_space<vmem>>) offsets(%dma_start3A_3 : memref<128xi32, #tpu.memory_space<vmem>>) semaphore(%arg8 : memref<!tpu.dma_semaphore, #tpu.memory_space<semaphore_mem>>)
    %dma_start3A_7 = arith.constant 128 : i32
    %dma_start3A_8 = tpu.memref_slice %arg5[%dma_start3A_7] : memref<1536xi32, #tpu.memory_space<vmem>> -> memref<128xi32, #tpu.memory_space<vmem>>
    %dma_start3A_9 = arith.constant 0 : i32
    %dma_start3A_10 = arith.constant 0 : i32
    %dma_start3A_11 = tpu.memref_slice %arg2[%dma_start3A_9, %dma_start3A_10] : memref<4096x128xi32, #tpu.memory_space<hbm>> -> memref<4096x128xi32, #tpu.memory_space<hbm>>
    tpu.enqueue_indirect_dma source(%dma_start3A_11 : memref<4096x128xi32, #tpu.memory_space<hbm>>) target(%arg7 : memref<128x128xi32, #tpu.memory_space<vmem>>) offsets(%dma_start3A_8 : memref<128xi32, #tpu.memory_space<vmem>>) semaphore(%arg9 : memref<!tpu.dma_semaphore, #tpu.memory_space<semaphore_mem>>)
    %dma_wait3A = arith.constant 0 : i32
    %dma_wait3A_12 = tpu.memref_slice %arg5[%dma_wait3A] : memref<1536xi32, #tpu.memory_space<vmem>> -> memref<128xi32, #tpu.memory_space<vmem>>
    %dma_wait3A_13 = arith.constant 0 : i32
    %dma_wait3A_14 = arith.constant 0 : i32
    %dma_wait3A_15 = tpu.memref_slice %arg2[%dma_wait3A_13, %dma_wait3A_14] : memref<4096x128xi32, #tpu.memory_space<hbm>> -> memref<4096x128xi32, #tpu.memory_space<hbm>>
    tpu.wait_indirect_dma semaphore(%arg8 : memref<!tpu.dma_semaphore, #tpu.memory_space<semaphore_mem>>) src(%dma_wait3A_15 : memref<4096x128xi32, #tpu.memory_space<hbm>>) dst(%arg6 : memref<128x128xi32, #tpu.memory_space<vmem>>)
    %add3A_16 = arith.constant 0 : i32
    %add3A_17 = arith.addi %mul3A_2, %add3A_16 : i32
    %dma_start3A_18 = arith.constant 0 : i32
    %dma_start3A_19 = tpu.memref_slice %arg4[%add3A_17, %dma_start3A_18] : memref<49152x128xi32, #tpu.memory_space<hbm>> -> memref<128x128xi32, #tpu.memory_space<hbm>>
    %dma_start3A_20 = arith.constant 0 : i32
    %dma_start3A_21 = tpu.memref_slice %arg4[%add3A_17, %dma_start3A_20] : memref<49152x128xi32, #tpu.memory_space<hbm>> -> memref<128x128xi32, #tpu.memory_space<hbm>>
    tpu.enqueue_dma source(%arg6 : memref<128x128xi32, #tpu.memory_space<vmem>>) target(%dma_start3A_21 : memref<128x128xi32, #tpu.memory_space<hbm>>) target_semaphore(%arg10 : memref<!tpu.dma_semaphore, #tpu.memory_space<semaphore_mem>>)
    %dma_wait3A_22 = arith.constant 0 : i32
    %dma_wait3A_23 = tpu.memref_slice %arg4[%add3A_17, %dma_wait3A_22] : memref<49152x128xi32, #tpu.memory_space<hbm>> -> memref<128x128xi32, #tpu.memory_space<hbm>>
    %dma_wait3A_24 = arith.constant 0 : i32
    %dma_wait3A_25 = tpu.memref_slice %arg4[%add3A_17, %dma_wait3A_24] : memref<49152x128xi32, #tpu.memory_space<hbm>> -> memref<128x128xi32, #tpu.memory_space<hbm>>
    tpu.wait_dma2 semaphore(%arg10 : memref<!tpu.dma_semaphore, #tpu.memory_space<semaphore_mem>>) src(%arg6 : memref<128x128xi32, #tpu.memory_space<vmem>>) dst(%dma_wait3A_25 : memref<128x128xi32, #tpu.memory_space<hbm>>)
    %dma_start3A_26 = arith.constant 256 : i32
    %dma_start3A_27 = tpu.memref_slice %arg5[%dma_start3A_26] : memref<1536xi32, #tpu.memory_space<vmem>> -> memref<128xi32, #tpu.memory_space<vmem>>
    %dma_start3A_28 = arith.constant 0 : i32
    %dma_start3A_29 = arith.constant 0 : i32
    %dma_start3A_30 = tpu.memref_slice %arg2[%dma_start3A_28, %dma_start3A_29] : memref<4096x128xi32, #tpu.memory_space<hbm>> -> memref<4096x128xi32, #tpu.memory_space<hbm>>
    tpu.enqueue_indirect_dma source(%dma_start3A_30 : memref<4096x128xi32, #tpu.memory_space<hbm>>) target(%arg6 : memref<128x128xi32, #tpu.memory_space<vmem>>) offsets(%dma_start3A_27 : memref<128xi32, #tpu.memory_space<vmem>>) semaphore(%arg8 : memref<!tpu.dma_semaphore, #tpu.memory_space<semaphore_mem>>)
    %dma_wait3A_31 = arith.constant 128 : i32
    %dma_wait3A_32 = tpu.memref_slice %arg5[%dma_wait3A_31] : memref<1536xi32, #tpu.memory_space<vmem>> -> memref<128xi32, #tpu.memory_space<vmem>>
    %dma_wait3A_33 = arith.constant 0 : i32
    %dma_wait3A_34 = arith.constant 0 : i32
    %dma_wait3A_35 = tpu.memref_slice %arg2[%dma_wait3A_33, %dma_wait3A_34] : memref<4096x128xi32, #tpu.memory_space<hbm>> -> memref<4096x128xi32, #tpu.memory_space<hbm>>
    tpu.wait_indirect_dma semaphore(%arg9 : memref<!tpu.dma_semaphore, #tpu.memory_space<semaphore_mem>>) src(%dma_wait3A_35 : memref<4096x128xi32, #tpu.memory_space<hbm>>) dst(%arg7 : memref<128x128xi32, #tpu.memory_space<vmem>>)
    %add3A_36 = arith.constant 128 : i32
    %add3A_37 = arith.addi %mul3A_2, %add3A_36 : i32
    %dma_start3A_38 = arith.constant 0 : i32
    %dma_start3A_39 = tpu.memref_slice %arg4[%add3A_37, %dma_start3A_38] : memref<49152x128xi32, #tpu.memory_space<hbm>> -> memref<128x128xi32, #tpu.memory_space<hbm>>
    %dma_start3A_40 = arith.constant 0 : i32
    %dma_start3A_41 = tpu.memref_slice %arg4[%add3A_37, %dma_start3A_40] : memref<49152x128xi32, #tpu.memory_space<hbm>> -> memref<128x128xi32, #tpu.memory_space<hbm>>
    tpu.enqueue_dma source(%arg7 : memref<128x128xi32, #tpu.memory_space<vmem>>) target(%dma_start3A_41 : memref<128x128xi32, #tpu.memory_space<hbm>>) target_semaphore(%arg11 : memref<!tpu.dma_semaphore, #tpu.memory_space<semaphore_mem>>)
    %dma_wait3A_42 = arith.constant 0 : i32
    %dma_wait3A_43 = tpu.memref_slice %arg4[%add3A_37, %dma_wait3A_42] : memref<49152x128xi32, #tpu.memory_space<hbm>> -> memref<128x128xi32, #tpu.memory_space<hbm>>
    %dma_wait3A_44 = arith.constant 0 : i32
    %dma_wait3A_45 = tpu.memref_slice %arg4[%add3A_37, %dma_wait3A_44] : memref<49152x128xi32, #tpu.memory_space<hbm>> -> memref<128x128xi32, #tpu.memory_space<hbm>>
    tpu.wait_dma2 semaphore(%arg11 : memref<!tpu.dma_semaphore, #tpu.memory_space<semaphore_mem>>) src(%arg7 : memref<128x128xi32, #tpu.memory_space<vmem>>) dst(%dma_wait3A_45 : memref<128x128xi32, #tpu.memory_space<hbm>>)
    %dma_start3A_46 = arith.constant 384 : i32
    %dma_start3A_47 = tpu.memref_slice %arg5[%dma_start3A_46] : memref<1536xi32, #tpu.memory_space<vmem>> -> memref<128xi32, #tpu.memory_space<vmem>>
    %dma_start3A_48 = arith.constant 0 : i32
    %dma_start3A_49 = arith.constant 0 : i32
    %dma_start3A_50 = tpu.memref_slice %arg2[%dma_start3A_48, %dma_start3A_49] : memref<4096x128xi32, #tpu.memory_space<hbm>> -> memref<4096x128xi32, #tpu.memory_space<hbm>>
    tpu.enqueue_indirect_dma source(%dma_start3A_50 : memref<4096x128xi32, #tpu.memory_space<hbm>>) target(%arg7 : memref<128x128xi32, #tpu.memory_space<vmem>>) offsets(%dma_start3A_47 : memref<128xi32, #tpu.memory_space<vmem>>) semaphore(%arg9 : memref<!tpu.dma_semaphore, #tpu.memory_space<semaphore_mem>>)
    %dma_wait3A_51 = arith.constant 256 : i32
    %dma_wait3A_52 = tpu.memref_slice %arg5[%dma_wait3A_51] : memref<1536xi32, #tpu.memory_space<vmem>> -> memref<128xi32, #tpu.memory_space<vmem>>
    %dma_wait3A_53 = arith.constant 0 : i32
    %dma_wait3A_54 = arith.constant 0 : i32
    %dma_wait3A_55 = tpu.memref_slice %arg2[%dma_wait3A_53, %dma_wait3A_54] : memref<4096x128xi32, #tpu.memory_space<hbm>> -> memref<4096x128xi32, #tpu.memory_space<hbm>>
    tpu.wait_indirect_dma semaphore(%arg8 : memref<!tpu.dma_semaphore, #tpu.memory_space<semaphore_mem>>) src(%dma_wait3A_55 : memref<4096x128xi32, #tpu.memory_space<hbm>>) dst(%arg6 : memref<128x128xi32, #tpu.memory_space<vmem>>)
    %add3A_56 = arith.constant 256 : i32
    %add3A_57 = arith.addi %mul3A_2, %add3A_56 : i32
    %dma_start3A_58 = arith.constant 0 : i32
    %dma_start3A_59 = tpu.memref_slice %arg4[%add3A_57, %dma_start3A_58] : memref<49152x128xi32, #tpu.memory_space<hbm>> -> memref<128x128xi32, #tpu.memory_space<hbm>>
    %dma_start3A_60 = arith.constant 0 : i32
    %dma_start3A_61 = tpu.memref_slice %arg4[%add3A_57, %dma_start3A_60] : memref<49152x128xi32, #tpu.memory_space<hbm>> -> memref<128x128xi32, #tpu.memory_space<hbm>>
    tpu.enqueue_dma source(%arg6 : memref<128x128xi32, #tpu.memory_space<vmem>>) target(%dma_start3A_61 : memref<128x128xi32, #tpu.memory_space<hbm>>) target_semaphore(%arg10 : memref<!tpu.dma_semaphore, #tpu.memory_space<semaphore_mem>>)
    %dma_wait3A_62 = arith.constant 0 : i32
    %dma_wait3A_63 = tpu.memref_slice %arg4[%add3A_57, %dma_wait3A_62] : memref<49152x128xi32, #tpu.memory_space<hbm>> -> memref<128x128xi32, #tpu.memory_space<hbm>>
    %dma_wait3A_64 = arith.constant 0 : i32
    %dma_wait3A_65 = tpu.memref_slice %arg4[%add3A_57, %dma_wait3A_64] : memref<49152x128xi32, #tpu.memory_space<hbm>> -> memref<128x128xi32, #tpu.memory_space<hbm>>
    tpu.wait_dma2 semaphore(%arg10 : memref<!tpu.dma_semaphore, #tpu.memory_space<semaphore_mem>>) src(%arg6 : memref<128x128xi32, #tpu.memory_space<vmem>>) dst(%dma_wait3A_65 : memref<128x128xi32, #tpu.memory_space<hbm>>)
    %dma_start3A_66 = arith.constant 512 : i32
    %dma_start3A_67 = tpu.memref_slice %arg5[%dma_start3A_66] : memref<1536xi32, #tpu.memory_space<vmem>> -> memref<128xi32, #tpu.memory_space<vmem>>
    %dma_start3A_68 = arith.constant 0 : i32
    %dma_start3A_69 = arith.constant 0 : i32
    %dma_start3A_70 = tpu.memref_slice %arg2[%dma_start3A_68, %dma_start3A_69] : memref<4096x128xi32, #tpu.memory_space<hbm>> -> memref<4096x128xi32, #tpu.memory_space<hbm>>
    tpu.enqueue_indirect_dma source(%dma_start3A_70 : memref<4096x128xi32, #tpu.memory_space<hbm>>) target(%arg6 : memref<128x128xi32, #tpu.memory_space<vmem>>) offsets(%dma_start3A_67 : memref<128xi32, #tpu.memory_space<vmem>>) semaphore(%arg8 : memref<!tpu.dma_semaphore, #tpu.memory_space<semaphore_mem>>)
    %dma_wait3A_71 = arith.constant 384 : i32
    %dma_wait3A_72 = tpu.memref_slice %arg5[%dma_wait3A_71] : memref<1536xi32, #tpu.memory_space<vmem>> -> memref<128xi32, #tpu.memory_space<vmem>>
    %dma_wait3A_73 = arith.constant 0 : i32
    %dma_wait3A_74 = arith.constant 0 : i32
    %dma_wait3A_75 = tpu.memref_slice %arg2[%dma_wait3A_73, %dma_wait3A_74] : memref<4096x128xi32, #tpu.memory_space<hbm>> -> memref<4096x128xi32, #tpu.memory_space<hbm>>
    tpu.wait_indirect_dma semaphore(%arg9 : memref<!tpu.dma_semaphore, #tpu.memory_space<semaphore_mem>>) src(%dma_wait3A_75 : memref<4096x128xi32, #tpu.memory_space<hbm>>) dst(%arg7 : memref<128x128xi32, #tpu.memory_space<vmem>>)
    %add3A_76 = arith.constant 384 : i32
    %add3A_77 = arith.addi %mul3A_2, %add3A_76 : i32
    %dma_start3A_78 = arith.constant 0 : i32
    %dma_start3A_79 = tpu.memref_slice %arg4[%add3A_77, %dma_start3A_78] : memref<49152x128xi32, #tpu.memory_space<hbm>> -> memref<128x128xi32, #tpu.memory_space<hbm>>
    %dma_start3A_80 = arith.constant 0 : i32
    %dma_start3A_81 = tpu.memref_slice %arg4[%add3A_77, %dma_start3A_80] : memref<49152x128xi32, #tpu.memory_space<hbm>> -> memref<128x128xi32, #tpu.memory_space<hbm>>
    tpu.enqueue_dma source(%arg7 : memref<128x128xi32, #tpu.memory_space<vmem>>) target(%dma_start3A_81 : memref<128x128xi32, #tpu.memory_space<hbm>>) target_semaphore(%arg11 : memref<!tpu.dma_semaphore, #tpu.memory_space<semaphore_mem>>)
    %dma_wait3A_82 = arith.constant 0 : i32
    %dma_wait3A_83 = tpu.memref_slice %arg4[%add3A_77, %dma_wait3A_82] : memref<49152x128xi32, #tpu.memory_space<hbm>> -> memref<128x128xi32, #tpu.memory_space<hbm>>
    %dma_wait3A_84 = arith.constant 0 : i32
    %dma_wait3A_85 = tpu.memref_slice %arg4[%add3A_77, %dma_wait3A_84] : memref<49152x128xi32, #tpu.memory_space<hbm>> -> memref<128x128xi32, #tpu.memory_space<hbm>>
    tpu.wait_dma2 semaphore(%arg11 : memref<!tpu.dma_semaphore, #tpu.memory_space<semaphore_mem>>) src(%arg7 : memref<128x128xi32, #tpu.memory_space<vmem>>) dst(%dma_wait3A_85 : memref<128x128xi32, #tpu.memory_space<hbm>>)
    %dma_start3A_86 = arith.constant 640 : i32
    %dma_start3A_87 = tpu.memref_slice %arg5[%dma_start3A_86] : memref<1536xi32, #tpu.memory_space<vmem>> -> memref<128xi32, #tpu.memory_space<vmem>>
    %dma_start3A_88 = arith.constant 0 : i32
    %dma_start3A_89 = arith.constant 0 : i32
    %dma_start3A_90 = tpu.memref_slice %arg2[%dma_start3A_88, %dma_start3A_89] : memref<4096x128xi32, #tpu.memory_space<hbm>> -> memref<4096x128xi32, #tpu.memory_space<hbm>>
    tpu.enqueue_indirect_dma source(%dma_start3A_90 : memref<4096x128xi32, #tpu.memory_space<hbm>>) target(%arg7 : memref<128x128xi32, #tpu.memory_space<vmem>>) offsets(%dma_start3A_87 : memref<128xi32, #tpu.memory_space<vmem>>) semaphore(%arg9 : memref<!tpu.dma_semaphore, #tpu.memory_space<semaphore_mem>>)
    %dma_wait3A_91 = arith.constant 512 : i32
    %dma_wait3A_92 = tpu.memref_slice %arg5[%dma_wait3A_91] : memref<1536xi32, #tpu.memory_space<vmem>> -> memref<128xi32, #tpu.memory_space<vmem>>
    %dma_wait3A_93 = arith.constant 0 : i32
    %dma_wait3A_94 = arith.constant 0 : i32
    %dma_wait3A_95 = tpu.memref_slice %arg2[%dma_wait3A_93, %dma_wait3A_94] : memref<4096x128xi32, #tpu.memory_space<hbm>> -> memref<4096x128xi32, #tpu.memory_space<hbm>>
    tpu.wait_indirect_dma semaphore(%arg8 : memref<!tpu.dma_semaphore, #tpu.memory_space<semaphore_mem>>) src(%dma_wait3A_95 : memref<4096x128xi32, #tpu.memory_space<hbm>>) dst(%arg6 : memref<128x128xi32, #tpu.memory_space<vmem>>)
    %add3A_96 = arith.constant 512 : i32
    %add3A_97 = arith.addi %mul3A_2, %add3A_96 : i32
    %dma_start3A_98 = arith.constant 0 : i32
    %dma_start3A_99 = tpu.memref_slice %arg4[%add3A_97, %dma_start3A_98] : memref<49152x128xi32, #tpu.memory_space<hbm>> -> memref<128x128xi32, #tpu.memory_space<hbm>>
    %dma_start3A_100 = arith.constant 0 : i32
    %dma_start3A_101 = tpu.memref_slice %arg4[%add3A_97, %dma_start3A_100] : memref<49152x128xi32, #tpu.memory_space<hbm>> -> memref<128x128xi32, #tpu.memory_space<hbm>>
    tpu.enqueue_dma source(%arg6 : memref<128x128xi32, #tpu.memory_space<vmem>>) target(%dma_start3A_101 : memref<128x128xi32, #tpu.memory_space<hbm>>) target_semaphore(%arg10 : memref<!tpu.dma_semaphore, #tpu.memory_space<semaphore_mem>>)
    %dma_wait3A_102 = arith.constant 0 : i32
    %dma_wait3A_103 = tpu.memref_slice %arg4[%add3A_97, %dma_wait3A_102] : memref<49152x128xi32, #tpu.memory_space<hbm>> -> memref<128x128xi32, #tpu.memory_space<hbm>>
    %dma_wait3A_104 = arith.constant 0 : i32
    %dma_wait3A_105 = tpu.memref_slice %arg4[%add3A_97, %dma_wait3A_104] : memref<49152x128xi32, #tpu.memory_space<hbm>> -> memref<128x128xi32, #tpu.memory_space<hbm>>
    tpu.wait_dma2 semaphore(%arg10 : memref<!tpu.dma_semaphore, #tpu.memory_space<semaphore_mem>>) src(%arg6 : memref<128x128xi32, #tpu.memory_space<vmem>>) dst(%dma_wait3A_105 : memref<128x128xi32, #tpu.memory_space<hbm>>)
    %dma_start3A_106 = arith.constant 768 : i32
    %dma_start3A_107 = tpu.memref_slice %arg5[%dma_start3A_106] : memref<1536xi32, #tpu.memory_space<vmem>> -> memref<128xi32, #tpu.memory_space<vmem>>
    %dma_start3A_108 = arith.constant 0 : i32
    %dma_start3A_109 = arith.constant 0 : i32
    %dma_start3A_110 = tpu.memref_slice %arg2[%dma_start3A_108, %dma_start3A_109] : memref<4096x128xi32, #tpu.memory_space<hbm>> -> memref<4096x128xi32, #tpu.memory_space<hbm>>
    tpu.enqueue_indirect_dma source(%dma_start3A_110 : memref<4096x128xi32, #tpu.memory_space<hbm>>) target(%arg6 : memref<128x128xi32, #tpu.memory_space<vmem>>) offsets(%dma_start3A_107 : memref<128xi32, #tpu.memory_space<vmem>>) semaphore(%arg8 : memref<!tpu.dma_semaphore, #tpu.memory_space<semaphore_mem>>)
    %dma_wait3A_111 = arith.constant 640 : i32
    %dma_wait3A_112 = tpu.memref_slice %arg5[%dma_wait3A_111] : memref<1536xi32, #tpu.memory_space<vmem>> -> memref<128xi32, #tpu.memory_space<vmem>>
    %dma_wait3A_113 = arith.constant 0 : i32
    %dma_wait3A_114 = arith.constant 0 : i32
    %dma_wait3A_115 = tpu.memref_slice %arg2[%dma_wait3A_113, %dma_wait3A_114] : memref<4096x128xi32, #tpu.memory_space<hbm>> -> memref<4096x128xi32, #tpu.memory_space<hbm>>
    tpu.wait_indirect_dma semaphore(%arg9 : memref<!tpu.dma_semaphore, #tpu.memory_space<semaphore_mem>>) src(%dma_wait3A_115 : memref<4096x128xi32, #tpu.memory_space<hbm>>) dst(%arg7 : memref<128x128xi32, #tpu.memory_space<vmem>>)
    %add3A_116 = arith.constant 640 : i32
    %add3A_117 = arith.addi %mul3A_2, %add3A_116 : i32
    %dma_start3A_118 = arith.constant 0 : i32
    %dma_start3A_119 = tpu.memref_slice %arg4[%add3A_117, %dma_start3A_118] : memref<49152x128xi32, #tpu.memory_space<hbm>> -> memref<128x128xi32, #tpu.memory_space<hbm>>
    %dma_start3A_120 = arith.constant 0 : i32
    %dma_start3A_121 = tpu.memref_slice %arg4[%add3A_117, %dma_start3A_120] : memref<49152x128xi32, #tpu.memory_space<hbm>> -> memref<128x128xi32, #tpu.memory_space<hbm>>
    tpu.enqueue_dma source(%arg7 : memref<128x128xi32, #tpu.memory_space<vmem>>) target(%dma_start3A_121 : memref<128x128xi32, #tpu.memory_space<hbm>>) target_semaphore(%arg11 : memref<!tpu.dma_semaphore, #tpu.memory_space<semaphore_mem>>)
    %dma_wait3A_122 = arith.constant 0 : i32
    %dma_wait3A_123 = tpu.memref_slice %arg4[%add3A_117, %dma_wait3A_122] : memref<49152x128xi32, #tpu.memory_space<hbm>> -> memref<128x128xi32, #tpu.memory_space<hbm>>
    %dma_wait3A_124 = arith.constant 0 : i32
    %dma_wait3A_125 = tpu.memref_slice %arg4[%add3A_117, %dma_wait3A_124] : memref<49152x128xi32, #tpu.memory_space<hbm>> -> memref<128x128xi32, #tpu.memory_space<hbm>>
    tpu.wait_dma2 semaphore(%arg11 : memref<!tpu.dma_semaphore, #tpu.memory_space<semaphore_mem>>) src(%arg7 : memref<128x128xi32, #tpu.memory_space<vmem>>) dst(%dma_wait3A_125 : memref<128x128xi32, #tpu.memory_space<hbm>>)
    %dma_start3A_126 = arith.constant 896 : i32
    %dma_start3A_127 = tpu.memref_slice %arg5[%dma_start3A_126] : memref<1536xi32, #tpu.memory_space<vmem>> -> memref<128xi32, #tpu.memory_space<vmem>>
    %dma_start3A_128 = arith.constant 0 : i32
    %dma_start3A_129 = arith.constant 0 : i32
    %dma_start3A_130 = tpu.memref_slice %arg2[%dma_start3A_128, %dma_start3A_129] : memref<4096x128xi32, #tpu.memory_space<hbm>> -> memref<4096x128xi32, #tpu.memory_space<hbm>>
    tpu.enqueue_indirect_dma source(%dma_start3A_130 : memref<4096x128xi32, #tpu.memory_space<hbm>>) target(%arg7 : memref<128x128xi32, #tpu.memory_space<vmem>>) offsets(%dma_start3A_127 : memref<128xi32, #tpu.memory_space<vmem>>) semaphore(%arg9 : memref<!tpu.dma_semaphore, #tpu.memory_space<semaphore_mem>>)
    %dma_wait3A_131 = arith.constant 768 : i32
    %dma_wait3A_132 = tpu.memref_slice %arg5[%dma_wait3A_131] : memref<1536xi32, #tpu.memory_space<vmem>> -> memref<128xi32, #tpu.memory_space<vmem>>
    %dma_wait3A_133 = arith.constant 0 : i32
    %dma_wait3A_134 = arith.constant 0 : i32
    %dma_wait3A_135 = tpu.memref_slice %arg2[%dma_wait3A_133, %dma_wait3A_134] : memref<4096x128xi32, #tpu.memory_space<hbm>> -> memref<4096x128xi32, #tpu.memory_space<hbm>>
    tpu.wait_indirect_dma semaphore(%arg8 : memref<!tpu.dma_semaphore, #tpu.memory_space<semaphore_mem>>) src(%dma_wait3A_135 : memref<4096x128xi32, #tpu.memory_space<hbm>>) dst(%arg6 : memref<128x128xi32, #tpu.memory_space<vmem>>)
    %add3A_136 = arith.constant 768 : i32
    %add3A_137 = arith.addi %mul3A_2, %add3A_136 : i32
    %dma_start3A_138 = arith.constant 0 : i32
    %dma_start3A_139 = tpu.memref_slice %arg4[%add3A_137, %dma_start3A_138] : memref<49152x128xi32, #tpu.memory_space<hbm>> -> memref<128x128xi32, #tpu.memory_space<hbm>>
    %dma_start3A_140 = arith.constant 0 : i32
    %dma_start3A_141 = tpu.memref_slice %arg4[%add3A_137, %dma_start3A_140] : memref<49152x128xi32, #tpu.memory_space<hbm>> -> memref<128x128xi32, #tpu.memory_space<hbm>>
    tpu.enqueue_dma source(%arg6 : memref<128x128xi32, #tpu.memory_space<vmem>>) target(%dma_start3A_141 : memref<128x128xi32, #tpu.memory_space<hbm>>) target_semaphore(%arg10 : memref<!tpu.dma_semaphore, #tpu.memory_space<semaphore_mem>>)
    %dma_wait3A_142 = arith.constant 0 : i32
    %dma_wait3A_143 = tpu.memref_slice %arg4[%add3A_137, %dma_wait3A_142] : memref<49152x128xi32, #tpu.memory_space<hbm>> -> memref<128x128xi32, #tpu.memory_space<hbm>>
    %dma_wait3A_144 = arith.constant 0 : i32
    %dma_wait3A_145 = tpu.memref_slice %arg4[%add3A_137, %dma_wait3A_144] : memref<49152x128xi32, #tpu.memory_space<hbm>> -> memref<128x128xi32, #tpu.memory_space<hbm>>
    tpu.wait_dma2 semaphore(%arg10 : memref<!tpu.dma_semaphore, #tpu.memory_space<semaphore_mem>>) src(%arg6 : memref<128x128xi32, #tpu.memory_space<vmem>>) dst(%dma_wait3A_145 : memref<128x128xi32, #tpu.memory_space<hbm>>)
    %dma_start3A_146 = arith.constant 1024 : i32
    %dma_start3A_147 = tpu.memref_slice %arg5[%dma_start3A_146] : memref<1536xi32, #tpu.memory_space<vmem>> -> memref<128xi32, #tpu.memory_space<vmem>>
    %dma_start3A_148 = arith.constant 0 : i32
    %dma_start3A_149 = arith.constant 0 : i32
    %dma_start3A_150 = tpu.memref_slice %arg2[%dma_start3A_148, %dma_start3A_149] : memref<4096x128xi32, #tpu.memory_space<hbm>> -> memref<4096x128xi32, #tpu.memory_space<hbm>>
    tpu.enqueue_indirect_dma source(%dma_start3A_150 : memref<4096x128xi32, #tpu.memory_space<hbm>>) target(%arg6 : memref<128x128xi32, #tpu.memory_space<vmem>>) offsets(%dma_start3A_147 : memref<128xi32, #tpu.memory_space<vmem>>) semaphore(%arg8 : memref<!tpu.dma_semaphore, #tpu.memory_space<semaphore_mem>>)
    %dma_wait3A_151 = arith.constant 896 : i32
    %dma_wait3A_152 = tpu.memref_slice %arg5[%dma_wait3A_151] : memref<1536xi32, #tpu.memory_space<vmem>> -> memref<128xi32, #tpu.memory_space<vmem>>
    %dma_wait3A_153 = arith.constant 0 : i32
    %dma_wait3A_154 = arith.constant 0 : i32
    %dma_wait3A_155 = tpu.memref_slice %arg2[%dma_wait3A_153, %dma_wait3A_154] : memref<4096x128xi32, #tpu.memory_space<hbm>> -> memref<4096x128xi32, #tpu.memory_space<hbm>>
    tpu.wait_indirect_dma semaphore(%arg9 : memref<!tpu.dma_semaphore, #tpu.memory_space<semaphore_mem>>) src(%dma_wait3A_155 : memref<4096x128xi32, #tpu.memory_space<hbm>>) dst(%arg7 : memref<128x128xi32, #tpu.memory_space<vmem>>)
    %add3A_156 = arith.constant 896 : i32
    %add3A_157 = arith.addi %mul3A_2, %add3A_156 : i32
    %dma_start3A_158 = arith.constant 0 : i32
    %dma_start3A_159 = tpu.memref_slice %arg4[%add3A_157, %dma_start3A_158] : memref<49152x128xi32, #tpu.memory_space<hbm>> -> memref<128x128xi32, #tpu.memory_space<hbm>>
    %dma_start3A_160 = arith.constant 0 : i32
    %dma_start3A_161 = tpu.memref_slice %arg4[%add3A_157, %dma_start3A_160] : memref<49152x128xi32, #tpu.memory_space<hbm>> -> memref<128x128xi32, #tpu.memory_space<hbm>>
    tpu.enqueue_dma source(%arg7 : memref<128x128xi32, #tpu.memory_space<vmem>>) target(%dma_start3A_161 : memref<128x128xi32, #tpu.memory_space<hbm>>) target_semaphore(%arg11 : memref<!tpu.dma_semaphore, #tpu.memory_space<semaphore_mem>>)
    %dma_wait3A_162 = arith.constant 0 : i32
    %dma_wait3A_163 = tpu.memref_slice %arg4[%add3A_157, %dma_wait3A_162] : memref<49152x128xi32, #tpu.memory_space<hbm>> -> memref<128x128xi32, #tpu.memory_space<hbm>>
    %dma_wait3A_164 = arith.constant 0 : i32
    %dma_wait3A_165 = tpu.memref_slice %arg4[%add3A_157, %dma_wait3A_164] : memref<49152x128xi32, #tpu.memory_space<hbm>> -> memref<128x128xi32, #tpu.memory_space<hbm>>
    tpu.wait_dma2 semaphore(%arg11 : memref<!tpu.dma_semaphore, #tpu.memory_space<semaphore_mem>>) src(%arg7 : memref<128x128xi32, #tpu.memory_space<vmem>>) dst(%dma_wait3A_165 : memref<128x128xi32, #tpu.memory_space<hbm>>)
    %dma_start3A_166 = arith.constant 1152 : i32
    %dma_start3A_167 = tpu.memref_slice %arg5[%dma_start3A_166] : memref<1536xi32, #tpu.memory_space<vmem>> -> memref<128xi32, #tpu.memory_space<vmem>>
    %dma_start3A_168 = arith.constant 0 : i32
    %dma_start3A_169 = arith.constant 0 : i32
    %dma_start3A_170 = tpu.memref_slice %arg2[%dma_start3A_168, %dma_start3A_169] : memref<4096x128xi32, #tpu.memory_space<hbm>> -> memref<4096x128xi32, #tpu.memory_space<hbm>>
    tpu.enqueue_indirect_dma source(%dma_start3A_170 : memref<4096x128xi32, #tpu.memory_space<hbm>>) target(%arg7 : memref<128x128xi32, #tpu.memory_space<vmem>>) offsets(%dma_start3A_167 : memref<128xi32, #tpu.memory_space<vmem>>) semaphore(%arg9 : memref<!tpu.dma_semaphore, #tpu.memory_space<semaphore_mem>>)
    %dma_wait3A_171 = arith.constant 1024 : i32
    %dma_wait3A_172 = tpu.memref_slice %arg5[%dma_wait3A_171] : memref<1536xi32, #tpu.memory_space<vmem>> -> memref<128xi32, #tpu.memory_space<vmem>>
    %dma_wait3A_173 = arith.constant 0 : i32
    %dma_wait3A_174 = arith.constant 0 : i32
    %dma_wait3A_175 = tpu.memref_slice %arg2[%dma_wait3A_173, %dma_wait3A_174] : memref<4096x128xi32, #tpu.memory_space<hbm>> -> memref<4096x128xi32, #tpu.memory_space<hbm>>
    tpu.wait_indirect_dma semaphore(%arg8 : memref<!tpu.dma_semaphore, #tpu.memory_space<semaphore_mem>>) src(%dma_wait3A_175 : memref<4096x128xi32, #tpu.memory_space<hbm>>) dst(%arg6 : memref<128x128xi32, #tpu.memory_space<vmem>>)
    %add3A_176 = arith.constant 1024 : i32
    %add3A_177 = arith.addi %mul3A_2, %add3A_176 : i32
    %dma_start3A_178 = arith.constant 0 : i32
    %dma_start3A_179 = tpu.memref_slice %arg4[%add3A_177, %dma_start3A_178] : memref<49152x128xi32, #tpu.memory_space<hbm>> -> memref<128x128xi32, #tpu.memory_space<hbm>>
    %dma_start3A_180 = arith.constant 0 : i32
    %dma_start3A_181 = tpu.memref_slice %arg4[%add3A_177, %dma_start3A_180] : memref<49152x128xi32, #tpu.memory_space<hbm>> -> memref<128x128xi32, #tpu.memory_space<hbm>>
    tpu.enqueue_dma source(%arg6 : memref<128x128xi32, #tpu.memory_space<vmem>>) target(%dma_start3A_181 : memref<128x128xi32, #tpu.memory_space<hbm>>) target_semaphore(%arg10 : memref<!tpu.dma_semaphore, #tpu.memory_space<semaphore_mem>>)
    %dma_wait3A_182 = arith.constant 0 : i32
    %dma_wait3A_183 = tpu.memref_slice %arg4[%add3A_177, %dma_wait3A_182] : memref<49152x128xi32, #tpu.memory_space<hbm>> -> memref<128x128xi32, #tpu.memory_space<hbm>>
    %dma_wait3A_184 = arith.constant 0 : i32
    %dma_wait3A_185 = tpu.memref_slice %arg4[%add3A_177, %dma_wait3A_184] : memref<49152x128xi32, #tpu.memory_space<hbm>> -> memref<128x128xi32, #tpu.memory_space<hbm>>
    tpu.wait_dma2 semaphore(%arg10 : memref<!tpu.dma_semaphore, #tpu.memory_space<semaphore_mem>>) src(%arg6 : memref<128x128xi32, #tpu.memory_space<vmem>>) dst(%dma_wait3A_185 : memref<128x128xi32, #tpu.memory_space<hbm>>)
    %dma_start3A_186 = arith.constant 1280 : i32
    %dma_start3A_187 = tpu.memref_slice %arg5[%dma_start3A_186] : memref<1536xi32, #tpu.memory_space<vmem>> -> memref<128xi32, #tpu.memory_space<vmem>>
    %dma_start3A_188 = arith.constant 0 : i32
    %dma_start3A_189 = arith.constant 0 : i32
    %dma_start3A_190 = tpu.memref_slice %arg2[%dma_start3A_188, %dma_start3A_189] : memref<4096x128xi32, #tpu.memory_space<hbm>> -> memref<4096x128xi32, #tpu.memory_space<hbm>>
    tpu.enqueue_indirect_dma source(%dma_start3A_190 : memref<4096x128xi32, #tpu.memory_space<hbm>>) target(%arg6 : memref<128x128xi32, #tpu.memory_space<vmem>>) offsets(%dma_start3A_187 : memref<128xi32, #tpu.memory_space<vmem>>) semaphore(%arg8 : memref<!tpu.dma_semaphore, #tpu.memory_space<semaphore_mem>>)
    %dma_wait3A_191 = arith.constant 1152 : i32
    %dma_wait3A_192 = tpu.memref_slice %arg5[%dma_wait3A_191] : memref<1536xi32, #tpu.memory_space<vmem>> -> memref<128xi32, #tpu.memory_space<vmem>>
    %dma_wait3A_193 = arith.constant 0 : i32
    %dma_wait3A_194 = arith.constant 0 : i32
    %dma_wait3A_195 = tpu.memref_slice %arg2[%dma_wait3A_193, %dma_wait3A_194] : memref<4096x128xi32, #tpu.memory_space<hbm>> -> memref<4096x128xi32, #tpu.memory_space<hbm>>
    tpu.wait_indirect_dma semaphore(%arg9 : memref<!tpu.dma_semaphore, #tpu.memory_space<semaphore_mem>>) src(%dma_wait3A_195 : memref<4096x128xi32, #tpu.memory_space<hbm>>) dst(%arg7 : memref<128x128xi32, #tpu.memory_space<vmem>>)
    %add3A_196 = arith.constant 1152 : i32
    %add3A_197 = arith.addi %mul3A_2, %add3A_196 : i32
    %dma_start3A_198 = arith.constant 0 : i32
    %dma_start3A_199 = tpu.memref_slice %arg4[%add3A_197, %dma_start3A_198] : memref<49152x128xi32, #tpu.memory_space<hbm>> -> memref<128x128xi32, #tpu.memory_space<hbm>>
    %dma_start3A_200 = arith.constant 0 : i32
    %dma_start3A_201 = tpu.memref_slice %arg4[%add3A_197, %dma_start3A_200] : memref<49152x128xi32, #tpu.memory_space<hbm>> -> memref<128x128xi32, #tpu.memory_space<hbm>>
    tpu.enqueue_dma source(%arg7 : memref<128x128xi32, #tpu.memory_space<vmem>>) target(%dma_start3A_201 : memref<128x128xi32, #tpu.memory_space<hbm>>) target_semaphore(%arg11 : memref<!tpu.dma_semaphore, #tpu.memory_space<semaphore_mem>>)
    %dma_wait3A_202 = arith.constant 0 : i32
    %dma_wait3A_203 = tpu.memref_slice %arg4[%add3A_197, %dma_wait3A_202] : memref<49152x128xi32, #tpu.memory_space<hbm>> -> memref<128x128xi32, #tpu.memory_space<hbm>>
    %dma_wait3A_204 = arith.constant 0 : i32
    %dma_wait3A_205 = tpu.memref_slice %arg4[%add3A_197, %dma_wait3A_204] : memref<49152x128xi32, #tpu.memory_space<hbm>> -> memref<128x128xi32, #tpu.memory_space<hbm>>
    tpu.wait_dma2 semaphore(%arg11 : memref<!tpu.dma_semaphore, #tpu.memory_space<semaphore_mem>>) src(%arg7 : memref<128x128xi32, #tpu.memory_space<vmem>>) dst(%dma_wait3A_205 : memref<128x128xi32, #tpu.memory_space<hbm>>)
    %dma_start3A_206 = arith.constant 1408 : i32
    %dma_start3A_207 = tpu.memref_slice %arg5[%dma_start3A_206] : memref<1536xi32, #tpu.memory_space<vmem>> -> memref<128xi32, #tpu.memory_space<vmem>>
    %dma_start3A_208 = arith.constant 0 : i32
    %dma_start3A_209 = arith.constant 0 : i32
    %dma_start3A_210 = tpu.memref_slice %arg2[%dma_start3A_208, %dma_start3A_209] : memref<4096x128xi32, #tpu.memory_space<hbm>> -> memref<4096x128xi32, #tpu.memory_space<hbm>>
    tpu.enqueue_indirect_dma source(%dma_start3A_210 : memref<4096x128xi32, #tpu.memory_space<hbm>>) target(%arg7 : memref<128x128xi32, #tpu.memory_space<vmem>>) offsets(%dma_start3A_207 : memref<128xi32, #tpu.memory_space<vmem>>) semaphore(%arg9 : memref<!tpu.dma_semaphore, #tpu.memory_space<semaphore_mem>>)
    %dma_wait3A_211 = arith.constant 1280 : i32
    %dma_wait3A_212 = tpu.memref_slice %arg5[%dma_wait3A_211] : memref<1536xi32, #tpu.memory_space<vmem>> -> memref<128xi32, #tpu.memory_space<vmem>>
    %dma_wait3A_213 = arith.constant 0 : i32
    %dma_wait3A_214 = arith.constant 0 : i32
    %dma_wait3A_215 = tpu.memref_slice %arg2[%dma_wait3A_213, %dma_wait3A_214] : memref<4096x128xi32, #tpu.memory_space<hbm>> -> memref<4096x128xi32, #tpu.memory_space<hbm>>
    tpu.wait_indirect_dma semaphore(%arg8 : memref<!tpu.dma_semaphore, #tpu.memory_space<semaphore_mem>>) src(%dma_wait3A_215 : memref<4096x128xi32, #tpu.memory_space<hbm>>) dst(%arg6 : memref<128x128xi32, #tpu.memory_space<vmem>>)
    %add3A_216 = arith.constant 1280 : i32
    %add3A_217 = arith.addi %mul3A_2, %add3A_216 : i32
    %dma_start3A_218 = arith.constant 0 : i32
    %dma_start3A_219 = tpu.memref_slice %arg4[%add3A_217, %dma_start3A_218] : memref<49152x128xi32, #tpu.memory_space<hbm>> -> memref<128x128xi32, #tpu.memory_space<hbm>>
    %dma_start3A_220 = arith.constant 0 : i32
    %dma_start3A_221 = tpu.memref_slice %arg4[%add3A_217, %dma_start3A_220] : memref<49152x128xi32, #tpu.memory_space<hbm>> -> memref<128x128xi32, #tpu.memory_space<hbm>>
    tpu.enqueue_dma source(%arg6 : memref<128x128xi32, #tpu.memory_space<vmem>>) target(%dma_start3A_221 : memref<128x128xi32, #tpu.memory_space<hbm>>) target_semaphore(%arg10 : memref<!tpu.dma_semaphore, #tpu.memory_space<semaphore_mem>>)
    %dma_wait3A_222 = arith.constant 1408 : i32
    %dma_wait3A_223 = tpu.memref_slice %arg5[%dma_wait3A_222] : memref<1536xi32, #tpu.memory_space<vmem>> -> memref<128xi32, #tpu.memory_space<vmem>>
    %dma_wait3A_224 = arith.constant 0 : i32
    %dma_wait3A_225 = arith.constant 0 : i32
    %dma_wait3A_226 = tpu.memref_slice %arg2[%dma_wait3A_224, %dma_wait3A_225] : memref<4096x128xi32, #tpu.memory_space<hbm>> -> memref<4096x128xi32, #tpu.memory_space<hbm>>
    tpu.wait_indirect_dma semaphore(%arg9 : memref<!tpu.dma_semaphore, #tpu.memory_space<semaphore_mem>>) src(%dma_wait3A_226 : memref<4096x128xi32, #tpu.memory_space<hbm>>) dst(%arg7 : memref<128x128xi32, #tpu.memory_space<vmem>>)
    %add3A_227 = arith.constant 1408 : i32
    %add3A_228 = arith.addi %mul3A_2, %add3A_227 : i32
    "tpu.region"() ({
      %run_scoped3A = tpu.sem_alloc : memref<!tpu.dma_semaphore, #tpu.memory_space<semaphore_mem>>
      %dma_start3A_233 = arith.constant 0 : i32
      %dma_start3A_234 = tpu.memref_slice %arg4[%add3A_228, %dma_start3A_233] : memref<49152x128xi32, #tpu.memory_space<hbm>> -> memref<128x128xi32, #tpu.memory_space<hbm>>
      %dma_start3A_235 = arith.constant 0 : i32
      %dma_start3A_236 = tpu.memref_slice %arg4[%add3A_228, %dma_start3A_235] : memref<49152x128xi32, #tpu.memory_space<hbm>> -> memref<128x128xi32, #tpu.memory_space<hbm>>
      tpu.enqueue_dma source(%arg7 : memref<128x128xi32, #tpu.memory_space<vmem>>) target(%dma_start3A_236 : memref<128x128xi32, #tpu.memory_space<hbm>>) target_semaphore(%run_scoped3A : memref<!tpu.dma_semaphore, #tpu.memory_space<semaphore_mem>>)
      %dma_wait3A_237 = arith.constant 0 : i32
      %dma_wait3A_238 = tpu.memref_slice %arg4[%add3A_228, %dma_wait3A_237] : memref<49152x128xi32, #tpu.memory_space<hbm>> -> memref<128x128xi32, #tpu.memory_space<hbm>>
      %dma_wait3A_239 = arith.constant 0 : i32
      %dma_wait3A_240 = tpu.memref_slice %arg4[%add3A_228, %dma_wait3A_239] : memref<49152x128xi32, #tpu.memory_space<hbm>> -> memref<128x128xi32, #tpu.memory_space<hbm>>
      tpu.wait_dma2 semaphore(%run_scoped3A : memref<!tpu.dma_semaphore, #tpu.memory_space<semaphore_mem>>) src(%arg7 : memref<128x128xi32, #tpu.memory_space<vmem>>) dst(%dma_wait3A_240 : memref<128x128xi32, #tpu.memory_space<hbm>>)
      tpu.yield
    }) : () -> ()
    %dma_wait3A_229 = arith.constant 0 : i32
    %dma_wait3A_230 = tpu.memref_slice %arg4[%add3A_217, %dma_wait3A_229] : memref<49152x128xi32, #tpu.memory_space<hbm>> -> memref<128x128xi32, #tpu.memory_space<hbm>>
    %dma_wait3A_231 = arith.constant 0 : i32
    %dma_wait3A_232 = tpu.memref_slice %arg4[%add3A_217, %dma_wait3A_231] : memref<49152x128xi32, #tpu.memory_space<hbm>> -> memref<128x128xi32, #tpu.memory_space<hbm>>
    tpu.wait_dma2 semaphore(%arg10 : memref<!tpu.dma_semaphore, #tpu.memory_space<semaphore_mem>>) src(%arg6 : memref<128x128xi32, #tpu.memory_space<vmem>>) dst(%dma_wait3A_232 : memref<128x128xi32, #tpu.memory_space<hbm>>)
    return
  }
}

module attributes {stable_mosaic.version = 14 : i64} {
  func.func @_nn_body(%arg0: i32, %arg1: i32, %arg2: memref<1x1024x3xf32, #tpu.memory_space<vmem>>, %arg3: memref<1x3x1024xf32, #tpu.memory_space<vmem>>, %arg4: memref<1x256x256xf32, #tpu.memory_space<vmem>>, %arg5: memref<1x3x1024xi32, #tpu.memory_space<vmem>>, %arg6: memref<1x1024x3xf32, #tpu.memory_space<vmem>>, %arg7: memref<256x128xi32, #tpu.memory_space<vmem>>) attributes {dimension_semantics = [#tpu.dimension_semantics<arbitrary>, #tpu.dimension_semantics<arbitrary>], iteration_bounds = array<i64: 4, 4>, scalar_prefetch = 0 : i64, scratch_operands = 0 : i64, tpu.core_type = #tpu.core_type<tc>, window_params = [{transform_indices = @transform_0, window_bounds = array<i64: 1, 1024, 3>}, {transform_indices = @transform_1, window_bounds = array<i64: 1, 3, 1024>}, {transform_indices = @transform_2, window_bounds = array<i64: 1, 256, 256>}, {transform_indices = @transform_3, window_bounds = array<i64: 1, 3, 1024>}, {transform_indices = @transform_4, window_bounds = array<i64: 1, 1024, 3>}, {transform_indices = @transform_5, window_bounds = array<i64: 256, 128>}]} {
    %get3A = arith.constant 0 : index
    %get3A_0 = arith.constant 0 : index
    %get3A_1 = arith.constant 0 : index
    %get3A_2 = vector.load %arg2[%get3A, %get3A_0, %get3A_1] : memref<1x1024x3xf32, #tpu.memory_space<vmem>>, vector<1x1024x3xf32>
    %get3A_3 = vector.shape_cast %get3A_2 : vector<1x1024x3xf32> to vector<1024x3xf32>
    %get3A_4 = arith.constant 0 : index
    %get3A_5 = arith.constant 0 : index
    %get3A_6 = arith.constant 0 : index
    %get3A_7 = vector.load %arg3[%get3A_4, %get3A_5, %get3A_6] : memref<1x3x1024xf32, #tpu.memory_space<vmem>>, vector<1x3x1024xf32>
    %get3A_8 = vector.shape_cast %get3A_7 : vector<1x3x1024xf32> to vector<3x1024xf32>
    %get3A_9 = arith.constant 0 : index
    %get3A_10 = arith.constant 0 : index
    %get3A_11 = arith.constant 0 : index
    %get3A_12 = vector.load %arg4[%get3A_9, %get3A_10, %get3A_11] : memref<1x256x256xf32, #tpu.memory_space<vmem>>, vector<1x256x256xf32>
    %get3A_13 = vector.shape_cast %get3A_12 : vector<1x256x256xf32> to vector<256x256xf32>
    %transpose3A = tpu.transpose %get3A_13, [1, 0] : vector<256x256xf32> -> vector<256x256xf32>
    %bitcast_convert_type3A = tpu.bitcast %transpose3A : vector<256x256xf32> -> vector<256x256xi32>
    %shift_right_arithmetic3A = arith.constant 16 : i32
    %shift_right_arithmetic3A_14 = vector.broadcast %shift_right_arithmetic3A : i32 to vector<256x256xi32>
    %shift_right_arithmetic3A_15 = arith.shrsi %bitcast_convert_type3A, %shift_right_arithmetic3A_14 : vector<256x256xi32>
    %and3A = arith.constant 1 : i32
    %and3A_16 = vector.broadcast %and3A : i32 to vector<256x256xi32>
    %and3A_17 = arith.andi %shift_right_arithmetic3A_15, %and3A_16 : vector<256x256xi32>
    %add3A = arith.constant 32767 : i32
    %add3A_18 = vector.broadcast %add3A : i32 to vector<256x256xi32>
    %add3A_19 = arith.addi %and3A_17, %add3A_18 : vector<256x256xi32>
    %add3A_20 = arith.addi %bitcast_convert_type3A, %add3A_19 : vector<256x256xi32>
    %shift_right_arithmetic3A_21 = arith.constant 16 : i32
    %shift_right_arithmetic3A_22 = vector.broadcast %shift_right_arithmetic3A_21 : i32 to vector<256x256xi32>
    %shift_right_arithmetic3A_23 = arith.shrsi %add3A_20, %shift_right_arithmetic3A_22 : vector<256x256xi32>
    %and3A_24 = arith.constant 65535 : i32
    %and3A_25 = vector.broadcast %and3A_24 : i32 to vector<256x256xi32>
    %and3A_26 = arith.andi %shift_right_arithmetic3A_23, %and3A_25 : vector<256x256xi32>
    %slice3A = vector.extract_strided_slice %and3A_26 {offsets = [0, 0], sizes = [256, 128], strides = [1, 1]} : vector<256x256xi32> to vector<256x128xi32>
    %slice3A_27 = vector.extract_strided_slice %and3A_26 {offsets = [0, 128], sizes = [256, 128], strides = [1, 1]} : vector<256x256xi32> to vector<256x128xi32>
    %shift_left3A = arith.constant 16 : i32
    %shift_left3A_28 = vector.broadcast %shift_left3A : i32 to vector<256x128xi32>
    %shift_left3A_29 = arith.shli %slice3A_27, %shift_left3A_28 : vector<256x128xi32>
    %or3A = arith.ori %slice3A, %shift_left3A_29 : vector<256x128xi32>
    %swap3A = arith.constant 0 : index
    %swap3A_30 = arith.constant 0 : index
    %swap3A_31 = vector.load %arg7[%swap3A, %swap3A_30] : memref<256x128xi32, #tpu.memory_space<vmem>>, vector<256x128xi32>
    tpu.vector_store %arg7[%swap3A, %swap3A_30], %or3A {strides = array<i32>} : memref<256x128xi32, #tpu.memory_space<vmem>>, vector<256x128xi32>,
    %slice3A_32 = vector.extract_strided_slice %get3A_3 {offsets = [0, 0], sizes = [1024, 1], strides = [1, 1]} : vector<1024x3xf32> to vector<1024x1xf32>
    %slice3A_33 = vector.extract_strided_slice %get3A_8 {offsets = [0, 0], sizes = [1, 1024], strides = [1, 1]} : vector<3x1024xf32> to vector<1x1024xf32>
    %sub3A = vector.broadcast %slice3A_32 : vector<1024x1xf32> to vector<1024x1024xf32>
    %sub3A_34 = vector.broadcast %slice3A_33 : vector<1x1024xf32> to vector<1024x1024xf32>
    %sub3A_35 = arith.subf %sub3A, %sub3A_34 : vector<1024x1024xf32>
    %slice3A_36 = vector.extract_strided_slice %get3A_3 {offsets = [0, 1], sizes = [1024, 1], strides = [1, 1]} : vector<1024x3xf32> to vector<1024x1xf32>
    %slice3A_37 = vector.extract_strided_slice %get3A_8 {offsets = [1, 0], sizes = [1, 1024], strides = [1, 1]} : vector<3x1024xf32> to vector<1x1024xf32>
    %sub3A_38 = vector.broadcast %slice3A_36 : vector<1024x1xf32> to vector<1024x1024xf32>
    %sub3A_39 = vector.broadcast %slice3A_37 : vector<1x1024xf32> to vector<1024x1024xf32>
    %sub3A_40 = arith.subf %sub3A_38, %sub3A_39 : vector<1024x1024xf32>
    %slice3A_41 = vector.extract_strided_slice %get3A_3 {offsets = [0, 2], sizes = [1024, 1], strides = [1, 1]} : vector<1024x3xf32> to vector<1024x1xf32>
    %slice3A_42 = vector.extract_strided_slice %get3A_8 {offsets = [2, 0], sizes = [1, 1024], strides = [1, 1]} : vector<3x1024xf32> to vector<1x1024xf32>
    %sub3A_43 = vector.broadcast %slice3A_41 : vector<1024x1xf32> to vector<1024x1024xf32>
    %sub3A_44 = vector.broadcast %slice3A_42 : vector<1x1024xf32> to vector<1024x1024xf32>
    %sub3A_45 = arith.subf %sub3A_43, %sub3A_44 : vector<1024x1024xf32>
    %mul3A = arith.mulf %sub3A_35, %sub3A_35 : vector<1024x1024xf32>
    %mul3A_46 = arith.mulf %sub3A_40, %sub3A_40 : vector<1024x1024xf32>
    %add3A_47 = arith.addf %mul3A, %mul3A_46 : vector<1024x1024xf32>
    %mul3A_48 = arith.mulf %sub3A_45, %sub3A_45 : vector<1024x1024xf32>
    %add3A_49 = arith.addf %add3A_47, %mul3A_48 : vector<1024x1024xf32>
    %reduce_min3A = arith.constant dense<0x7F800000> : vector<1024xf32>
    %reduce_min3A_50 = vector.multi_reduction <minimumf>, %add3A_49, %reduce_min3A [1] : vector<1024x1024xf32> to vector<1024xf32>
    %broadcast_in_dim3A = vector.shape_cast %reduce_min3A_50 : vector<1024xf32> to vector<1024x1xf32>
    %gt3A = vector.broadcast %broadcast_in_dim3A : vector<1024x1xf32> to vector<1024x1024xf32>
    %gt3A_51 = arith.cmpf ogt, %add3A_49, %gt3A : vector<1024x1024xf32>
    %jit3A = arith.constant 0x7F800000 : f32
    %broadcast_in_dim3A_52 = vector.broadcast %jit3A : f32 to vector<1024x1024xf32>
    %select_n3A = arith.select %gt3A_51, %add3A_49, %broadcast_in_dim3A_52 : vector<1024x1024xi1>, vector<1024x1024xf32>
    %reduce_min3A_53 = arith.constant dense<0x7F800000> : vector<1024xf32>
    %reduce_min3A_54 = vector.multi_reduction <minimumf>, %select_n3A, %reduce_min3A_53 [1] : vector<1024x1024xf32> to vector<1024xf32>
    %broadcast_in_dim3A_55 = vector.shape_cast %reduce_min3A_54 : vector<1024xf32> to vector<1024x1xf32>
    %gt3A_56 = vector.broadcast %broadcast_in_dim3A_55 : vector<1024x1xf32> to vector<1024x1024xf32>
    %gt3A_57 = arith.cmpf ogt, %add3A_49, %gt3A_56 : vector<1024x1024xf32>
    %jit3A_58 = arith.constant 0x7F800000 : f32
    %broadcast_in_dim3A_59 = vector.broadcast %jit3A_58 : f32 to vector<1024x1024xf32>
    %select_n3A_60 = arith.select %gt3A_57, %add3A_49, %broadcast_in_dim3A_59 : vector<1024x1024xi1>, vector<1024x1024xf32>
    %reduce_min3A_61 = arith.constant dense<0x7F800000> : vector<1024xf32>
    %reduce_min3A_62 = vector.multi_reduction <minimumf>, %select_n3A_60, %reduce_min3A_61 [1] : vector<1024x1024xf32> to vector<1024xf32>
    %broadcast_in_dim3A_63 = vector.shape_cast %reduce_min3A_62 : vector<1024xf32> to vector<1024x1xf32>
    %iota3A = tpu.iota {dimensions = array<i32: 1>} : vector<1024x1024xi32>
    %convert_element_type3A = arith.sitofp %iota3A : vector<1024x1024xi32> to vector<1024x1024xf32>
    %eq3A = vector.broadcast %broadcast_in_dim3A : vector<1024x1xf32> to vector<1024x1024xf32>
    %eq3A_64 = arith.cmpf oeq, %add3A_49, %eq3A : vector<1024x1024xf32>
    %jit3A_65 = arith.constant 0.000000e+00 : f32
    %broadcast_in_dim3A_66 = vector.broadcast %jit3A_65 : f32 to vector<1024x1024xf32>
    %select_n3A_67 = arith.select %eq3A_64, %convert_element_type3A, %broadcast_in_dim3A_66 : vector<1024x1024xi1>, vector<1024x1024xf32>
    %reduce_sum3A = arith.constant dense<0.000000e+00> : vector<1024xf32>
    %reduce_sum3A_68 = vector.multi_reduction <add>, %select_n3A_67, %reduce_sum3A [1] : vector<1024x1024xf32> to vector<1024xf32>
    %broadcast_in_dim3A_69 = vector.shape_cast %reduce_sum3A_68 : vector<1024xf32> to vector<1024x1xf32>
    %eq3A_70 = vector.broadcast %broadcast_in_dim3A_55 : vector<1024x1xf32> to vector<1024x1024xf32>
    %eq3A_71 = arith.cmpf oeq, %add3A_49, %eq3A_70 : vector<1024x1024xf32>
    %jit3A_72 = arith.constant 0.000000e+00 : f32
    %broadcast_in_dim3A_73 = vector.broadcast %jit3A_72 : f32 to vector<1024x1024xf32>
    %select_n3A_74 = arith.select %eq3A_71, %convert_element_type3A, %broadcast_in_dim3A_73 : vector<1024x1024xi1>, vector<1024x1024xf32>
    %reduce_sum3A_75 = arith.constant dense<0.000000e+00> : vector<1024xf32>
    %reduce_sum3A_76 = vector.multi_reduction <add>, %select_n3A_74, %reduce_sum3A_75 [1] : vector<1024x1024xf32> to vector<1024xf32>
    %broadcast_in_dim3A_77 = vector.shape_cast %reduce_sum3A_76 : vector<1024xf32> to vector<1024x1xf32>
    %eq3A_78 = vector.broadcast %broadcast_in_dim3A_63 : vector<1024x1xf32> to vector<1024x1024xf32>
    %eq3A_79 = arith.cmpf oeq, %add3A_49, %eq3A_78 : vector<1024x1024xf32>
    %jit3A_80 = arith.constant 0.000000e+00 : f32
    %broadcast_in_dim3A_81 = vector.broadcast %jit3A_80 : f32 to vector<1024x1024xf32>
    %select_n3A_82 = arith.select %eq3A_79, %convert_element_type3A, %broadcast_in_dim3A_81 : vector<1024x1024xi1>, vector<1024x1024xf32>
    %reduce_sum3A_83 = arith.constant dense<0.000000e+00> : vector<1024xf32>
    %reduce_sum3A_84 = vector.multi_reduction <add>, %select_n3A_82, %reduce_sum3A_83 [1] : vector<1024x1024xf32> to vector<1024xf32>
    %broadcast_in_dim3A_85 = vector.shape_cast %reduce_sum3A_84 : vector<1024xf32> to vector<1024x1xf32>
    %concatenate3A = tpu.concatenate %broadcast_in_dim3A_69, %broadcast_in_dim3A_77, %broadcast_in_dim3A_85 in 1 : vector<1024x1xf32>, vector<1024x1xf32>, vector<1024x1xf32> -> vector<1024x3xf32>
    %convert_element_type3A_86 = arith.fptosi %concatenate3A : vector<1024x3xf32> to vector<1024x3xi32>
    %min3A = arith.constant 1023 : i32
    %min3A_87 = vector.broadcast %min3A : i32 to vector<1024x3xi32>
    %min3A_88 = arith.minsi %convert_element_type3A_86, %min3A_87 : vector<1024x3xi32>
    %concatenate3A_89 = tpu.concatenate %broadcast_in_dim3A, %broadcast_in_dim3A_55, %broadcast_in_dim3A_63 in 1 : vector<1024x1xf32>, vector<1024x1xf32>, vector<1024x1xf32> -> vector<1024x3xf32>
    %sqrt3A = math.sqrt %concatenate3A_89 : vector<1024x3xf32>
    %add3A_90 = arith.constant 9.99999993E-9 : f32
    %add3A_91 = vector.broadcast %add3A_90 : f32 to vector<1024x3xf32>
    %add3A_92 = arith.addf %sqrt3A, %add3A_91 : vector<1024x3xf32>
    %div3A = arith.constant 1.000000e+00 : f32
    %div3A_93 = vector.broadcast %div3A : f32 to vector<1024x3xf32>
    %div3A_94 = arith.divf %div3A_93, %add3A_92 : vector<1024x3xf32>
    %reduce_sum3A_95 = arith.constant dense<0.000000e+00> : vector<1024xf32>
    %reduce_sum3A_96 = vector.multi_reduction <add>, %div3A_94, %reduce_sum3A_95 [1] : vector<1024x3xf32> to vector<1024xf32>
    %broadcast_in_dim3A_97 = vector.shape_cast %reduce_sum3A_96 : vector<1024xf32> to vector<1024x1xf32>
    %div3A_98 = vector.broadcast %broadcast_in_dim3A_97 : vector<1024x1xf32> to vector<1024x3xf32>
    %div3A_99 = arith.divf %div3A_94, %div3A_98 : vector<1024x3xf32>
    %transpose3A_100 = tpu.transpose %min3A_88, [1, 0] : vector<1024x3xi32> -> vector<3x1024xi32>
    %mul3A_101 = arith.constant 1024 : i32
    %mul3A_102 = arith.muli %arg0, %mul3A_101 : i32
    %add3A_103 = vector.broadcast %mul3A_102 : i32 to vector<3x1024xi32>
    %add3A_104 = arith.addi %transpose3A_100, %add3A_103 : vector<3x1024xi32>
    %swap3A_105 = arith.constant 0 : index
    %swap3A_106 = arith.constant 0 : index
    %swap3A_107 = arith.constant 0 : index
    %swap3A_108 = vector.load %arg5[%swap3A_105, %swap3A_106, %swap3A_107] : memref<1x3x1024xi32, #tpu.memory_space<vmem>>, vector<1x3x1024xi32>
    %swap3A_109 = vector.shape_cast %swap3A_108 : vector<1x3x1024xi32> to vector<3x1024xi32>
    %swap3A_110 = vector.shape_cast %add3A_104 : vector<3x1024xi32> to vector<1x3x1024xi32>
    tpu.vector_store %arg5[%swap3A_105, %swap3A_106, %swap3A_107], %swap3A_110 {strides = array<i32>} : memref<1x3x1024xi32, #tpu.memory_space<vmem>>, vector<1x3x1024xi32>,
    %swap3A_111 = arith.constant 0 : index
    %swap3A_112 = arith.constant 0 : index
    %swap3A_113 = arith.constant 0 : index
    %swap3A_114 = vector.load %arg6[%swap3A_111, %swap3A_112, %swap3A_113] : memref<1x1024x3xf32, #tpu.memory_space<vmem>>, vector<1x1024x3xf32>
    %swap3A_115 = vector.shape_cast %swap3A_114 : vector<1x1024x3xf32> to vector<1024x3xf32>
    %swap3A_116 = vector.shape_cast %div3A_99 : vector<1024x3xf32> to vector<1x1024x3xf32>
    tpu.vector_store %arg6[%swap3A_111, %swap3A_112, %swap3A_113], %swap3A_116 {strides = array<i32>} : memref<1x1024x3xf32, #tpu.memory_space<vmem>>, vector<1x1024x3xf32>,
    return
  }
  func.func @transform_0(%arg0: i32, %arg1: i32) -> (i32, i32, i32) {
    %c0_i32 = arith.constant 0 : i32
    %c0_i32_0 = arith.constant 0 : i32
    return %arg0, %arg1, %c0_i32 : i32, i32, i32
  }
  func.func @transform_1(%arg0: i32, %arg1: i32) -> (i32, i32, i32) {
    %c0_i32 = arith.constant 0 : i32
    %c0_i32_0 = arith.constant 0 : i32
    %c0_i32_1 = arith.constant 0 : i32
    return %arg0, %c0_i32, %c0_i32_0 : i32, i32, i32
  }
  func.func @transform_2(%arg0: i32, %arg1: i32) -> (i32, i32, i32) {
    %c0_i32 = arith.constant 0 : i32
    %c0_i32_0 = arith.constant 0 : i32
    return %arg0, %c0_i32, %arg1 : i32, i32, i32
  }
  func.func @transform_3(%arg0: i32, %arg1: i32) -> (i32, i32, i32) {
    %c0_i32 = arith.constant 0 : i32
    %c0_i32_0 = arith.constant 0 : i32
    return %arg0, %c0_i32, %arg1 : i32, i32, i32
  }
  func.func @transform_4(%arg0: i32, %arg1: i32) -> (i32, i32, i32) {
    %c0_i32 = arith.constant 0 : i32
    %c0_i32_0 = arith.constant 0 : i32
    return %arg0, %arg1, %c0_i32 : i32, i32, i32
  }
  func.func @transform_5(%arg0: i32, %arg1: i32) -> (i32, i32) {
    %mul3A = arith.constant 4 : i32
    %mul3A_0 = arith.muli %arg0, %mul3A : i32
    %add3A = arith.addi %mul3A_0, %arg1 : i32
    %c0_i32 = arith.constant 0 : i32
    %c0_i32_1 = arith.constant 0 : i32
    return %add3A, %c0_i32 : i32, i32
  }
}

module attributes {stable_mosaic.version = 14 : i64} {
  func.func @_l2_body(%arg0: i32, %arg1: i32, %arg2: memref<1x1024x256xf32, #tpu.memory_space<vmem>>, %arg3: memref<1x256xf32, #tpu.memory_space<vmem>>, %arg4: memref<1x256xf32, #tpu.memory_space<vmem>>, %arg5: memref<256x256xbf16, #tpu.memory_space<vmem>>, %arg6: memref<1x256xf32, #tpu.memory_space<vmem>>, %arg7: memref<1x256x1024xf32, #tpu.memory_space<vmem>>, %arg8: memref<1x256xf32, #tpu.memory_space<vmem>>, %arg9: memref<1x256xf32, #tpu.memory_space<vmem>>) attributes {dimension_semantics = [#tpu.dimension_semantics<arbitrary>, #tpu.dimension_semantics<arbitrary>], iteration_bounds = array<i64: 4, 4>, scalar_prefetch = 0 : i64, scratch_operands = 0 : i64, tpu.core_type = #tpu.core_type<tc>, window_params = [{transform_indices = @transform_0, window_bounds = array<i64: 1, 1024, 256>}, {pipeline_mode = #tpu.pipeline_mode<synchronous>, transform_indices = @transform_1, window_bounds = array<i64: 1, 256>}, {pipeline_mode = #tpu.pipeline_mode<synchronous>, transform_indices = @transform_2, window_bounds = array<i64: 1, 256>}, {pipeline_mode = #tpu.pipeline_mode<synchronous>, transform_indices = @transform_3, window_bounds = array<i64: 256, 256>}, {pipeline_mode = #tpu.pipeline_mode<synchronous>, transform_indices = @transform_4, window_bounds = array<i64: 1, 256>}, {transform_indices = @transform_5, window_bounds = array<i64: 1, 256, 1024>}, {pipeline_mode = #tpu.pipeline_mode<synchronous>, transform_indices = @transform_6, window_bounds = array<i64: 1, 256>}, {pipeline_mode = #tpu.pipeline_mode<synchronous>, transform_indices = @transform_7, window_bounds = array<i64: 1, 256>}]} {
    %get3A = arith.constant 0 : index
    %get3A_0 = arith.constant 0 : index
    %get3A_1 = arith.constant 0 : index
    %get3A_2 = vector.load %arg2[%get3A, %get3A_0, %get3A_1] : memref<1x1024x256xf32, #tpu.memory_space<vmem>>, vector<1x1024x256xf32>
    %get3A_3 = vector.shape_cast %get3A_2 : vector<1x1024x256xf32> to vector<1024x256xf32>
    %get3A_4 = arith.constant 0 : index
    %get3A_5 = arith.constant 0 : index
    %get3A_6 = vector.load %arg3[%get3A_4, %get3A_5] : memref<1x256xf32, #tpu.memory_space<vmem>>, vector<1x256xf32>
    %mul3A = vector.broadcast %get3A_6 : vector<1x256xf32> to vector<1024x256xf32>
    %mul3A_7 = arith.mulf %get3A_3, %mul3A : vector<1024x256xf32>
    %get3A_8 = arith.constant 0 : index
    %get3A_9 = arith.constant 0 : index
    %get3A_10 = vector.load %arg4[%get3A_8, %get3A_9] : memref<1x256xf32, #tpu.memory_space<vmem>>, vector<1x256xf32>
    %add3A = vector.broadcast %get3A_10 : vector<1x256xf32> to vector<1024x256xf32>
    %add3A_11 = arith.addf %mul3A_7, %add3A : vector<1024x256xf32>
    %max3A = arith.constant 0.000000e+00 : f32
    %max3A_12 = vector.broadcast %max3A : f32 to vector<1024x256xf32>
    %max3A_13 = arith.maximumf %add3A_11, %max3A_12 : vector<1024x256xf32>
    %convert_element_type3A = arith.truncf %max3A_13 : vector<1024x256xf32> to vector<1024x256xbf16>
    %get3A_14 = arith.constant 0 : index
    %get3A_15 = arith.constant 0 : index
    %get3A_16 = vector.load %arg5[%get3A_14, %get3A_15] : memref<256x256xbf16, #tpu.memory_space<vmem>>, vector<256x256xbf16>
    %dot_general3A = arith.constant dense<0.000000e+00> : vector<1024x256xf32>
    %dot_general3A_17 = tpu.matmul %convert_element_type3A, %get3A_16, %dot_general3A {dimension_numbers = #tpu.dot_dimension_numbers<[1], [0], [0], [1], [0, 0, 1, 1], [], []>, transpose_lhs_hint = false} : vector<1024x256xbf16>, vector<256x256xbf16>, vector<1024x256xf32> -> vector<1024x256xf32>
    %get3A_18 = arith.constant 0 : index
    %get3A_19 = arith.constant 0 : index
    %get3A_20 = vector.load %arg6[%get3A_18, %get3A_19] : memref<1x256xf32, #tpu.memory_space<vmem>>, vector<1x256xf32>
    %add3A_21 = vector.broadcast %get3A_20 : vector<1x256xf32> to vector<1024x256xf32>
    %add3A_22 = arith.addf %dot_general3A_17, %add3A_21 : vector<1024x256xf32>
    %transpose3A = tpu.transpose %add3A_22, [1, 0] : vector<1024x256xf32> -> vector<256x1024xf32>
    %swap3A = arith.constant 0 : index
    %swap3A_23 = arith.constant 0 : index
    %swap3A_24 = arith.constant 0 : index
    %swap3A_25 = vector.load %arg7[%swap3A, %swap3A_23, %swap3A_24] : memref<1x256x1024xf32, #tpu.memory_space<vmem>>, vector<1x256x1024xf32>
    %swap3A_26 = vector.shape_cast %swap3A_25 : vector<1x256x1024xf32> to vector<256x1024xf32>
    %swap3A_27 = vector.shape_cast %transpose3A : vector<256x1024xf32> to vector<1x256x1024xf32>
    tpu.vector_store %arg7[%swap3A, %swap3A_23, %swap3A_24], %swap3A_27 {strides = array<i32>} : memref<1x256x1024xf32, #tpu.memory_space<vmem>>, vector<1x256x1024xf32>,
    %eq3A = arith.constant 0 : i32
    %eq3A_28 = arith.cmpi eq, %arg0, %eq3A : i32
    %eq3A_29 = arith.constant 0 : i32
    %eq3A_30 = arith.cmpi eq, %arg1, %eq3A_29 : i32
    %and3A = arith.andi %eq3A_28, %eq3A_30 : i1
    %convert_element_type3A_31 = arith.extui %and3A : i1 to i32
    %cond3A = arith.constant 0 : i32
    %cond3A_32 = arith.cmpi ne, %convert_element_type3A_31, %cond3A : i32
    scf.if %cond3A_32 {
      %broadcast_in_dim3A_52 = arith.constant 0.000000e+00 : f32
      %broadcast_in_dim3A_53 = vector.broadcast %broadcast_in_dim3A_52 : f32 to vector<1x256xf32>
      %swap3A_54 = arith.constant 0 : index
      %swap3A_55 = arith.constant 0 : index
      %swap3A_56 = vector.load %arg8[%swap3A_54, %swap3A_55] : memref<1x256xf32, #tpu.memory_space<vmem>>, vector<1x256xf32>
      tpu.vector_store %arg8[%swap3A_54, %swap3A_55], %broadcast_in_dim3A_53 {strides = array<i32>} : memref<1x256xf32, #tpu.memory_space<vmem>>, vector<1x256xf32>,
      %broadcast_in_dim3A_57 = arith.constant 0.000000e+00 : f32
      %broadcast_in_dim3A_58 = vector.broadcast %broadcast_in_dim3A_57 : f32 to vector<1x256xf32>
      %swap3A_59 = arith.constant 0 : index
      %swap3A_60 = arith.constant 0 : index
      %swap3A_61 = vector.load %arg9[%swap3A_59, %swap3A_60] : memref<1x256xf32, #tpu.memory_space<vmem>>, vector<1x256xf32>
      tpu.vector_store %arg9[%swap3A_59, %swap3A_60], %broadcast_in_dim3A_58 {strides = array<i32>} : memref<1x256xf32, #tpu.memory_space<vmem>>, vector<1x256xf32>,
    } else {
    }
    %get3A_33 = arith.constant 0 : index
    %get3A_34 = arith.constant 0 : index
    %get3A_35 = vector.load %arg8[%get3A_33, %get3A_34] : memref<1x256xf32, #tpu.memory_space<vmem>>, vector<1x256xf32>
    %reduce_sum3A = arith.constant dense<0.000000e+00> : vector<256xf32>
    %reduce_sum3A_36 = vector.multi_reduction <add>, %add3A_22, %reduce_sum3A [0] : vector<1024x256xf32> to vector<256xf32>
    %broadcast_in_dim3A = vector.shape_cast %reduce_sum3A_36 : vector<256xf32> to vector<1x256xf32>
    %add3A_37 = arith.addf %get3A_35, %broadcast_in_dim3A : vector<1x256xf32>
    %swap3A_38 = arith.constant 0 : index
    %swap3A_39 = arith.constant 0 : index
    %swap3A_40 = vector.load %arg8[%swap3A_38, %swap3A_39] : memref<1x256xf32, #tpu.memory_space<vmem>>, vector<1x256xf32>
    tpu.vector_store %arg8[%swap3A_38, %swap3A_39], %add3A_37 {strides = array<i32>} : memref<1x256xf32, #tpu.memory_space<vmem>>, vector<1x256xf32>,
    %get3A_41 = arith.constant 0 : index
    %get3A_42 = arith.constant 0 : index
    %get3A_43 = vector.load %arg9[%get3A_41, %get3A_42] : memref<1x256xf32, #tpu.memory_space<vmem>>, vector<1x256xf32>
    %mul3A_44 = arith.mulf %add3A_22, %add3A_22 : vector<1024x256xf32>
    %reduce_sum3A_45 = arith.constant dense<0.000000e+00> : vector<256xf32>
    %reduce_sum3A_46 = vector.multi_reduction <add>, %mul3A_44, %reduce_sum3A_45 [0] : vector<1024x256xf32> to vector<256xf32>
    %broadcast_in_dim3A_47 = vector.shape_cast %reduce_sum3A_46 : vector<256xf32> to vector<1x256xf32>
    %add3A_48 = arith.addf %get3A_43, %broadcast_in_dim3A_47 : vector<1x256xf32>
    %swap3A_49 = arith.constant 0 : index
    %swap3A_50 = arith.constant 0 : index
    %swap3A_51 = vector.load %arg9[%swap3A_49, %swap3A_50] : memref<1x256xf32, #tpu.memory_space<vmem>>, vector<1x256xf32>
    tpu.vector_store %arg9[%swap3A_49, %swap3A_50], %add3A_48 {strides = array<i32>} : memref<1x256xf32, #tpu.memory_space<vmem>>, vector<1x256xf32>,
    return
  }
  func.func @transform_0(%arg0: i32, %arg1: i32) -> (i32, i32, i32) {
    %c0_i32 = arith.constant 0 : i32
    %c0_i32_0 = arith.constant 0 : i32
    return %arg0, %arg1, %c0_i32 : i32, i32, i32
  }
  func.func @transform_1(%arg0: i32, %arg1: i32) -> (i32, i32) {
    %c0_i32 = arith.constant 0 : i32
    %c0_i32_0 = arith.constant 0 : i32
    %c0_i32_1 = arith.constant 0 : i32
    return %c0_i32, %c0_i32_0 : i32, i32
  }
  func.func @transform_2(%arg0: i32, %arg1: i32) -> (i32, i32) {
    %c0_i32 = arith.constant 0 : i32
    %c0_i32_0 = arith.constant 0 : i32
    %c0_i32_1 = arith.constant 0 : i32
    return %c0_i32, %c0_i32_0 : i32, i32
  }
  func.func @transform_3(%arg0: i32, %arg1: i32) -> (i32, i32) {
    %c0_i32 = arith.constant 0 : i32
    %c0_i32_0 = arith.constant 0 : i32
    %c0_i32_1 = arith.constant 0 : i32
    return %c0_i32, %c0_i32_0 : i32, i32
  }
  func.func @transform_4(%arg0: i32, %arg1: i32) -> (i32, i32) {
    %c0_i32 = arith.constant 0 : i32
    %c0_i32_0 = arith.constant 0 : i32
    %c0_i32_1 = arith.constant 0 : i32
    return %c0_i32, %c0_i32_0 : i32, i32
  }
  func.func @transform_5(%arg0: i32, %arg1: i32) -> (i32, i32, i32) {
    %c0_i32 = arith.constant 0 : i32
    %c0_i32_0 = arith.constant 0 : i32
    return %arg0, %c0_i32, %arg1 : i32, i32, i32
  }
  func.func @transform_6(%arg0: i32, %arg1: i32) -> (i32, i32) {
    %c0_i32 = arith.constant 0 : i32
    %c0_i32_0 = arith.constant 0 : i32
    %c0_i32_1 = arith.constant 0 : i32
    return %c0_i32, %c0_i32_0 : i32, i32
  }
  func.func @transform_7(%arg0: i32, %arg1: i32) -> (i32, i32) {
    %c0_i32 = arith.constant 0 : i32
    %c0_i32_0 = arith.constant 0 : i32
    %c0_i32_1 = arith.constant 0 : i32
    return %c0_i32, %c0_i32_0 : i32, i32
  }
}

module attributes {stable_mosaic.version = 14 : i64} {
  func.func @_l1b_body(%arg0: i32, %arg1: i32, %arg2: memref<1x3x1024x128xi32, #tpu.memory_space<vmem>>, %arg3: memref<1x1024x3xf32, #tpu.memory_space<vmem>>, %arg4: memref<1x1024x256xf32, #tpu.memory_space<vmem>>, %arg5: memref<128x256xbf16, #tpu.memory_space<vmem>>, %arg6: memref<128x256xbf16, #tpu.memory_space<vmem>>, %arg7: memref<1x256xf32, #tpu.memory_space<vmem>>, %arg8: memref<1x1024x256xf32, #tpu.memory_space<vmem>>, %arg9: memref<1x256xf32, #tpu.memory_space<vmem>>, %arg10: memref<1x256xf32, #tpu.memory_space<vmem>>) attributes {dimension_semantics = [#tpu.dimension_semantics<arbitrary>, #tpu.dimension_semantics<arbitrary>], iteration_bounds = array<i64: 4, 4>, scalar_prefetch = 0 : i64, scratch_operands = 0 : i64, tpu.core_type = #tpu.core_type<tc>, window_params = [{transform_indices = @transform_0, window_bounds = array<i64: 1, 3, 1024, 128>}, {transform_indices = @transform_1, window_bounds = array<i64: 1, 1024, 3>}, {transform_indices = @transform_2, window_bounds = array<i64: 1, 1024, 256>}, {pipeline_mode = #tpu.pipeline_mode<synchronous>, transform_indices = @transform_3, window_bounds = array<i64: 128, 256>}, {pipeline_mode = #tpu.pipeline_mode<synchronous>, transform_indices = @transform_4, window_bounds = array<i64: 128, 256>}, {pipeline_mode = #tpu.pipeline_mode<synchronous>, transform_indices = @transform_5, window_bounds = array<i64: 1, 256>}, {transform_indices = @transform_6, window_bounds = array<i64: 1, 1024, 256>}, {pipeline_mode = #tpu.pipeline_mode<synchronous>, transform_indices = @transform_7, window_bounds = array<i64: 1, 256>}, {pipeline_mode = #tpu.pipeline_mode<synchronous>, transform_indices = @transform_8, window_bounds = array<i64: 1, 256>}]} {
    %get3A = arith.constant 0 : index
    %get3A_0 = arith.constant 0 : index
    %get3A_1 = arith.constant 0 : index
    %get3A_2 = vector.load %arg3[%get3A, %get3A_0, %get3A_1] : memref<1x1024x3xf32, #tpu.memory_space<vmem>>, vector<1x1024x3xf32>
    %get3A_3 = vector.shape_cast %get3A_2 : vector<1x1024x3xf32> to vector<1024x3xf32>
    %get3A_4 = arith.constant 0 : index
    %get3A_5 = arith.constant 0 : index
    %get3A_6 = arith.constant 0 : index
    %get3A_7 = arith.constant 0 : index
    %get3A_8 = vector.load %arg2[%get3A_4, %get3A_5, %get3A_6, %get3A_7] : memref<1x3x1024x128xi32, #tpu.memory_space<vmem>>, vector<1x3x1024x128xi32>
    %get3A_9 = vector.shape_cast %get3A_8 : vector<1x3x1024x128xi32> to vector<3x1024x128xi32>
    %shift_left3A = arith.constant 16 : i32
    %shift_left3A_10 = vector.broadcast %shift_left3A : i32 to vector<3x1024x128xi32>
    %shift_left3A_11 = arith.shli %get3A_9, %shift_left3A_10 : vector<3x1024x128xi32>
    %bitcast_convert_type3A = tpu.bitcast %shift_left3A_11 : vector<3x1024x128xi32> -> vector<3x1024x128xf32>
    %and3A = arith.constant -65536 : i32
    %and3A_12 = vector.broadcast %and3A : i32 to vector<3x1024x128xi32>
    %and3A_13 = arith.andi %get3A_9, %and3A_12 : vector<3x1024x128xi32>
    %bitcast_convert_type3A_14 = tpu.bitcast %and3A_13 : vector<3x1024x128xi32> -> vector<3x1024x128xf32>
    %slice3A = vector.extract_strided_slice %bitcast_convert_type3A {offsets = [0, 0, 0], sizes = [1, 1024, 128], strides = [1, 1, 1]} : vector<3x1024x128xf32> to vector<1x1024x128xf32>
    %squeeze3A = vector.shape_cast %slice3A : vector<1x1024x128xf32> to vector<1024x128xf32>
    %slice3A_15 = vector.extract_strided_slice %get3A_3 {offsets = [0, 0], sizes = [1024, 1], strides = [1, 1]} : vector<1024x3xf32> to vector<1024x1xf32>
    %mul3A = vector.broadcast %slice3A_15 : vector<1024x1xf32> to vector<1024x128xf32>
    %mul3A_16 = arith.mulf %squeeze3A, %mul3A : vector<1024x128xf32>
    %slice3A_17 = vector.extract_strided_slice %bitcast_convert_type3A {offsets = [1, 0, 0], sizes = [1, 1024, 128], strides = [1, 1, 1]} : vector<3x1024x128xf32> to vector<1x1024x128xf32>
    %squeeze3A_18 = vector.shape_cast %slice3A_17 : vector<1x1024x128xf32> to vector<1024x128xf32>
    %slice3A_19 = vector.extract_strided_slice %get3A_3 {offsets = [0, 1], sizes = [1024, 1], strides = [1, 1]} : vector<1024x3xf32> to vector<1024x1xf32>
    %mul3A_20 = vector.broadcast %slice3A_19 : vector<1024x1xf32> to vector<1024x128xf32>
    %mul3A_21 = arith.mulf %squeeze3A_18, %mul3A_20 : vector<1024x128xf32>
    %add3A = arith.addf %mul3A_16, %mul3A_21 : vector<1024x128xf32>
    %slice3A_22 = vector.extract_strided_slice %bitcast_convert_type3A {offsets = [2, 0, 0], sizes = [1, 1024, 128], strides = [1, 1, 1]} : vector<3x1024x128xf32> to vector<1x1024x128xf32>
    %squeeze3A_23 = vector.shape_cast %slice3A_22 : vector<1x1024x128xf32> to vector<1024x128xf32>
    %slice3A_24 = vector.extract_strided_slice %get3A_3 {offsets = [0, 2], sizes = [1024, 1], strides = [1, 1]} : vector<1024x3xf32> to vector<1024x1xf32>
    %mul3A_25 = vector.broadcast %slice3A_24 : vector<1024x1xf32> to vector<1024x128xf32>
    %mul3A_26 = arith.mulf %squeeze3A_23, %mul3A_25 : vector<1024x128xf32>
    %add3A_27 = arith.addf %add3A, %mul3A_26 : vector<1024x128xf32>
    %slice3A_28 = vector.extract_strided_slice %bitcast_convert_type3A_14 {offsets = [0, 0, 0], sizes = [1, 1024, 128], strides = [1, 1, 1]} : vector<3x1024x128xf32> to vector<1x1024x128xf32>
    %squeeze3A_29 = vector.shape_cast %slice3A_28 : vector<1x1024x128xf32> to vector<1024x128xf32>
    %slice3A_30 = vector.extract_strided_slice %get3A_3 {offsets = [0, 0], sizes = [1024, 1], strides = [1, 1]} : vector<1024x3xf32> to vector<1024x1xf32>
    %mul3A_31 = vector.broadcast %slice3A_30 : vector<1024x1xf32> to vector<1024x128xf32>
    %mul3A_32 = arith.mulf %squeeze3A_29, %mul3A_31 : vector<1024x128xf32>
    %slice3A_33 = vector.extract_strided_slice %bitcast_convert_type3A_14 {offsets = [1, 0, 0], sizes = [1, 1024, 128], strides = [1, 1, 1]} : vector<3x1024x128xf32> to vector<1x1024x128xf32>
    %squeeze3A_34 = vector.shape_cast %slice3A_33 : vector<1x1024x128xf32> to vector<1024x128xf32>
    %slice3A_35 = vector.extract_strided_slice %get3A_3 {offsets = [0, 1], sizes = [1024, 1], strides = [1, 1]} : vector<1024x3xf32> to vector<1024x1xf32>
    %mul3A_36 = vector.broadcast %slice3A_35 : vector<1024x1xf32> to vector<1024x128xf32>
    %mul3A_37 = arith.mulf %squeeze3A_34, %mul3A_36 : vector<1024x128xf32>
    %add3A_38 = arith.addf %mul3A_32, %mul3A_37 : vector<1024x128xf32>
    %slice3A_39 = vector.extract_strided_slice %bitcast_convert_type3A_14 {offsets = [2, 0, 0], sizes = [1, 1024, 128], strides = [1, 1, 1]} : vector<3x1024x128xf32> to vector<1x1024x128xf32>
    %squeeze3A_40 = vector.shape_cast %slice3A_39 : vector<1x1024x128xf32> to vector<1024x128xf32>
    %slice3A_41 = vector.extract_strided_slice %get3A_3 {offsets = [0, 2], sizes = [1024, 1], strides = [1, 1]} : vector<1024x3xf32> to vector<1024x1xf32>
    %mul3A_42 = vector.broadcast %slice3A_41 : vector<1024x1xf32> to vector<1024x128xf32>
    %mul3A_43 = arith.mulf %squeeze3A_40, %mul3A_42 : vector<1024x128xf32>
    %add3A_44 = arith.addf %add3A_38, %mul3A_43 : vector<1024x128xf32>
    %convert_element_type3A = arith.truncf %add3A_27 : vector<1024x128xf32> to vector<1024x128xbf16>
    %get3A_45 = arith.constant 0 : index
    %get3A_46 = arith.constant 0 : index
    %get3A_47 = vector.load %arg5[%get3A_45, %get3A_46] : memref<128x256xbf16, #tpu.memory_space<vmem>>, vector<128x256xbf16>
    %dot_general3A = arith.constant dense<0.000000e+00> : vector<1024x256xf32>
    %dot_general3A_48 = tpu.matmul %convert_element_type3A, %get3A_47, %dot_general3A {dimension_numbers = #tpu.dot_dimension_numbers<[1], [0], [0], [1], [0, 0, 1, 1], [], []>, transpose_lhs_hint = false} : vector<1024x128xbf16>, vector<128x256xbf16>, vector<1024x256xf32> -> vector<1024x256xf32>
    %convert_element_type3A_49 = arith.truncf %add3A_44 : vector<1024x128xf32> to vector<1024x128xbf16>
    %get3A_50 = arith.constant 0 : index
    %get3A_51 = arith.constant 0 : index
    %get3A_52 = vector.load %arg6[%get3A_50, %get3A_51] : memref<128x256xbf16, #tpu.memory_space<vmem>>, vector<128x256xbf16>
    %dot_general3A_53 = arith.constant dense<0.000000e+00> : vector<1024x256xf32>
    %dot_general3A_54 = tpu.matmul %convert_element_type3A_49, %get3A_52, %dot_general3A_53 {dimension_numbers = #tpu.dot_dimension_numbers<[1], [0], [0], [1], [0, 0, 1, 1], [], []>, transpose_lhs_hint = false} : vector<1024x128xbf16>, vector<128x256xbf16>, vector<1024x256xf32> -> vector<1024x256xf32>
    %add3A_55 = arith.addf %dot_general3A_48, %dot_general3A_54 : vector<1024x256xf32>
    %get3A_56 = arith.constant 0 : index
    %get3A_57 = arith.constant 0 : index
    %get3A_58 = arith.constant 0 : index
    %get3A_59 = vector.load %arg4[%get3A_56, %get3A_57, %get3A_58] : memref<1x1024x256xf32, #tpu.memory_space<vmem>>, vector<1x1024x256xf32>
    %get3A_60 = vector.shape_cast %get3A_59 : vector<1x1024x256xf32> to vector<1024x256xf32>
    %add3A_61 = arith.addf %add3A_55, %get3A_60 : vector<1024x256xf32>
    %get3A_62 = arith.constant 0 : index
    %get3A_63 = arith.constant 0 : index
    %get3A_64 = vector.load %arg7[%get3A_62, %get3A_63] : memref<1x256xf32, #tpu.memory_space<vmem>>, vector<1x256xf32>
    %add3A_65 = vector.broadcast %get3A_64 : vector<1x256xf32> to vector<1024x256xf32>
    %add3A_66 = arith.addf %add3A_61, %add3A_65 : vector<1024x256xf32>
    %swap3A = arith.constant 0 : index
    %swap3A_67 = arith.constant 0 : index
    %swap3A_68 = arith.constant 0 : index
    %swap3A_69 = vector.load %arg8[%swap3A, %swap3A_67, %swap3A_68] : memref<1x1024x256xf32, #tpu.memory_space<vmem>>, vector<1x1024x256xf32>
    %swap3A_70 = vector.shape_cast %swap3A_69 : vector<1x1024x256xf32> to vector<1024x256xf32>
    %swap3A_71 = vector.shape_cast %add3A_66 : vector<1024x256xf32> to vector<1x1024x256xf32>
    tpu.vector_store %arg8[%swap3A, %swap3A_67, %swap3A_68], %swap3A_71 {strides = array<i32>} : memref<1x1024x256xf32, #tpu.memory_space<vmem>>, vector<1x1024x256xf32>,
    %eq3A = arith.constant 0 : i32
    %eq3A_72 = arith.cmpi eq, %arg0, %eq3A : i32
    %eq3A_73 = arith.constant 0 : i32
    %eq3A_74 = arith.cmpi eq, %arg1, %eq3A_73 : i32
    %and3A_75 = arith.andi %eq3A_72, %eq3A_74 : i1
    %convert_element_type3A_76 = arith.extui %and3A_75 : i1 to i32
    %cond3A = arith.constant 0 : i32
    %cond3A_77 = arith.cmpi ne, %convert_element_type3A_76, %cond3A : i32
    scf.if %cond3A_77 {
      %broadcast_in_dim3A_97 = arith.constant 0.000000e+00 : f32
      %broadcast_in_dim3A_98 = vector.broadcast %broadcast_in_dim3A_97 : f32 to vector<1x256xf32>
      %swap3A_99 = arith.constant 0 : index
      %swap3A_100 = arith.constant 0 : index
      %swap3A_101 = vector.load %arg9[%swap3A_99, %swap3A_100] : memref<1x256xf32, #tpu.memory_space<vmem>>, vector<1x256xf32>
      tpu.vector_store %arg9[%swap3A_99, %swap3A_100], %broadcast_in_dim3A_98 {strides = array<i32>} : memref<1x256xf32, #tpu.memory_space<vmem>>, vector<1x256xf32>,
      %broadcast_in_dim3A_102 = arith.constant 0.000000e+00 : f32
      %broadcast_in_dim3A_103 = vector.broadcast %broadcast_in_dim3A_102 : f32 to vector<1x256xf32>
      %swap3A_104 = arith.constant 0 : index
      %swap3A_105 = arith.constant 0 : index
      %swap3A_106 = vector.load %arg10[%swap3A_104, %swap3A_105] : memref<1x256xf32, #tpu.memory_space<vmem>>, vector<1x256xf32>
      tpu.vector_store %arg10[%swap3A_104, %swap3A_105], %broadcast_in_dim3A_103 {strides = array<i32>} : memref<1x256xf32, #tpu.memory_space<vmem>>, vector<1x256xf32>,
    } else {
    }
    %get3A_78 = arith.constant 0 : index
    %get3A_79 = arith.constant 0 : index
    %get3A_80 = vector.load %arg9[%get3A_78, %get3A_79] : memref<1x256xf32, #tpu.memory_space<vmem>>, vector<1x256xf32>
    %reduce_sum3A = arith.constant dense<0.000000e+00> : vector<256xf32>
    %reduce_sum3A_81 = vector.multi_reduction <add>, %add3A_66, %reduce_sum3A [0] : vector<1024x256xf32> to vector<256xf32>
    %broadcast_in_dim3A = vector.shape_cast %reduce_sum3A_81 : vector<256xf32> to vector<1x256xf32>
    %add3A_82 = arith.addf %get3A_80, %broadcast_in_dim3A : vector<1x256xf32>
    %swap3A_83 = arith.constant 0 : index
    %swap3A_84 = arith.constant 0 : index
    %swap3A_85 = vector.load %arg9[%swap3A_83, %swap3A_84] : memref<1x256xf32, #tpu.memory_space<vmem>>, vector<1x256xf32>
    tpu.vector_store %arg9[%swap3A_83, %swap3A_84], %add3A_82 {strides = array<i32>} : memref<1x256xf32, #tpu.memory_space<vmem>>, vector<1x256xf32>,
    %get3A_86 = arith.constant 0 : index
    %get3A_87 = arith.constant 0 : index
    %get3A_88 = vector.load %arg10[%get3A_86, %get3A_87] : memref<1x256xf32, #tpu.memory_space<vmem>>, vector<1x256xf32>
    %mul3A_89 = arith.mulf %add3A_66, %add3A_66 : vector<1024x256xf32>
    %reduce_sum3A_90 = arith.constant dense<0.000000e+00> : vector<256xf32>
    %reduce_sum3A_91 = vector.multi_reduction <add>, %mul3A_89, %reduce_sum3A_90 [0] : vector<1024x256xf32> to vector<256xf32>
    %broadcast_in_dim3A_92 = vector.shape_cast %reduce_sum3A_91 : vector<256xf32> to vector<1x256xf32>
    %add3A_93 = arith.addf %get3A_88, %broadcast_in_dim3A_92 : vector<1x256xf32>
    %swap3A_94 = arith.constant 0 : index
    %swap3A_95 = arith.constant 0 : index
    %swap3A_96 = vector.load %arg10[%swap3A_94, %swap3A_95] : memref<1x256xf32, #tpu.memory_space<vmem>>, vector<1x256xf32>
    tpu.vector_store %arg10[%swap3A_94, %swap3A_95], %add3A_93 {strides = array<i32>} : memref<1x256xf32, #tpu.memory_space<vmem>>, vector<1x256xf32>,
    return
  }
  func.func @transform_0(%arg0: i32, %arg1: i32) -> (i32, i32, i32, i32) {
    %c0_i32 = arith.constant 0 : i32
    %c0_i32_0 = arith.constant 0 : i32
    %c0_i32_1 = arith.constant 0 : i32
    return %arg0, %c0_i32, %arg1, %c0_i32_0 : i32, i32, i32, i32
  }
  func.func @transform_1(%arg0: i32, %arg1: i32) -> (i32, i32, i32) {
    %c0_i32 = arith.constant 0 : i32
    %c0_i32_0 = arith.constant 0 : i32
    return %arg0, %arg1, %c0_i32 : i32, i32, i32
  }
  func.func @transform_2(%arg0: i32, %arg1: i32) -> (i32, i32, i32) {
    %c0_i32 = arith.constant 0 : i32
    %c0_i32_0 = arith.constant 0 : i32
    return %arg0, %arg1, %c0_i32 : i32, i32, i32
  }
  func.func @transform_3(%arg0: i32, %arg1: i32) -> (i32, i32) {
    %c0_i32 = arith.constant 0 : i32
    %c0_i32_0 = arith.constant 0 : i32
    %c0_i32_1 = arith.constant 0 : i32
    return %c0_i32, %c0_i32_0 : i32, i32
  }
  func.func @transform_4(%arg0: i32, %arg1: i32) -> (i32, i32) {
    %c0_i32 = arith.constant 0 : i32
    %c0_i32_0 = arith.constant 0 : i32
    %c0_i32_1 = arith.constant 0 : i32
    return %c0_i32, %c0_i32_0 : i32, i32
  }
  func.func @transform_5(%arg0: i32, %arg1: i32) -> (i32, i32) {
    %c0_i32 = arith.constant 0 : i32
    %c0_i32_0 = arith.constant 0 : i32
    %c0_i32_1 = arith.constant 0 : i32
    return %c0_i32, %c0_i32_0 : i32, i32
  }
  func.func @transform_6(%arg0: i32, %arg1: i32) -> (i32, i32, i32) {
    %c0_i32 = arith.constant 0 : i32
    %c0_i32_0 = arith.constant 0 : i32
    return %arg0, %arg1, %c0_i32 : i32, i32, i32
  }
  func.func @transform_7(%arg0: i32, %arg1: i32) -> (i32, i32) {
    %c0_i32 = arith.constant 0 : i32
    %c0_i32_0 = arith.constant 0 : i32
    %c0_i32_1 = arith.constant 0 : i32
    return %c0_i32, %c0_i32_0 : i32, i32
  }
  func.func @transform_8(%arg0: i32, %arg1: i32) -> (i32, i32) {
    %c0_i32 = arith.constant 0 : i32
    %c0_i32_0 = arith.constant 0 : i32
    %c0_i32_1 = arith.constant 0 : i32
    return %c0_i32, %c0_i32_0 : i32, i32
  }
}

module attributes {stable_mosaic.version = 14 : i64} {
  func.func @_l1a_body(%arg0: i32, %arg1: i32, %arg2: memref<1x256x1024xf32, #tpu.memory_space<vmem>>, %arg3: memref<256x256xbf16, #tpu.memory_space<vmem>>, %arg4: memref<1x1024x256xf32, #tpu.memory_space<vmem>>) attributes {dimension_semantics = [#tpu.dimension_semantics<arbitrary>, #tpu.dimension_semantics<arbitrary>], iteration_bounds = array<i64: 4, 4>, scalar_prefetch = 0 : i64, scratch_operands = 0 : i64, tpu.core_type = #tpu.core_type<tc>, window_params = [{transform_indices = @transform_0, window_bounds = array<i64: 1, 256, 1024>}, {pipeline_mode = #tpu.pipeline_mode<synchronous>, transform_indices = @transform_1, window_bounds = array<i64: 256, 256>}, {transform_indices = @transform_2, window_bounds = array<i64: 1, 1024, 256>}]} {
    %get3A = arith.constant 0 : index
    %get3A_0 = arith.constant 0 : index
    %get3A_1 = arith.constant 0 : index
    %get3A_2 = vector.load %arg2[%get3A, %get3A_0, %get3A_1] : memref<1x256x1024xf32, #tpu.memory_space<vmem>>, vector<1x256x1024xf32>
    %get3A_3 = vector.shape_cast %get3A_2 : vector<1x256x1024xf32> to vector<256x1024xf32>
    %transpose3A = tpu.transpose %get3A_3, [1, 0] : vector<256x1024xf32> -> vector<1024x256xf32>
    %convert_element_type3A = arith.truncf %transpose3A : vector<1024x256xf32> to vector<1024x256xbf16>
    %get3A_4 = arith.constant 0 : index
    %get3A_5 = arith.constant 0 : index
    %get3A_6 = vector.load %arg3[%get3A_4, %get3A_5] : memref<256x256xbf16, #tpu.memory_space<vmem>>, vector<256x256xbf16>
    %dot_general3A = arith.constant dense<0.000000e+00> : vector<1024x256xf32>
    %dot_general3A_7 = tpu.matmul %convert_element_type3A, %get3A_6, %dot_general3A {dimension_numbers = #tpu.dot_dimension_numbers<[1], [0], [0], [1], [0, 0, 1, 1], [], []>, transpose_lhs_hint = false} : vector<1024x256xbf16>, vector<256x256xbf16>, vector<1024x256xf32> -> vector<1024x256xf32>
    %swap3A = arith.constant 0 : index
    %swap3A_8 = arith.constant 0 : index
    %swap3A_9 = arith.constant 0 : index
    %swap3A_10 = vector.load %arg4[%swap3A, %swap3A_8, %swap3A_9] : memref<1x1024x256xf32, #tpu.memory_space<vmem>>, vector<1x1024x256xf32>
    %swap3A_11 = vector.shape_cast %swap3A_10 : vector<1x1024x256xf32> to vector<1024x256xf32>
    %swap3A_12 = vector.shape_cast %dot_general3A_7 : vector<1024x256xf32> to vector<1x1024x256xf32>
    tpu.vector_store %arg4[%swap3A, %swap3A_8, %swap3A_9], %swap3A_12 {strides = array<i32>} : memref<1x1024x256xf32, #tpu.memory_space<vmem>>, vector<1x1024x256xf32>,
    return
  }
  func.func @transform_0(%arg0: i32, %arg1: i32) -> (i32, i32, i32) {
    %c0_i32 = arith.constant 0 : i32
    %c0_i32_0 = arith.constant 0 : i32
    return %arg0, %c0_i32, %arg1 : i32, i32, i32
  }
  func.func @transform_1(%arg0: i32, %arg1: i32) -> (i32, i32) {
    %c0_i32 = arith.constant 0 : i32
    %c0_i32_0 = arith.constant 0 : i32
    %c0_i32_1 = arith.constant 0 : i32
    return %c0_i32, %c0_i32_0 : i32, i32
  }
  func.func @transform_2(%arg0: i32, %arg1: i32) -> (i32, i32, i32) {
    %c0_i32 = arith.constant 0 : i32
    %c0_i32_0 = arith.constant 0 : i32
    return %arg0, %arg1, %c0_i32 : i32, i32, i32
  }
}

module attributes {stable_mosaic.version = 14 : i64} {
  func.func @_out_body(%arg0: i32, %arg1: i32, %arg2: memref<1x256x2048xf32, #tpu.memory_space<vmem>>, %arg3: memref<256x1xf32, #tpu.memory_space<vmem>>, %arg4: memref<256x1xf32, #tpu.memory_space<vmem>>, %arg5: memref<1x256x2048xf32, #tpu.memory_space<vmem>>) attributes {dimension_semantics = [#tpu.dimension_semantics<arbitrary>, #tpu.dimension_semantics<arbitrary>], iteration_bounds = array<i64: 4, 2>, scalar_prefetch = 0 : i64, scratch_operands = 0 : i64, tpu.core_type = #tpu.core_type<tc>, window_params = [{transform_indices = @transform_0, window_bounds = array<i64: 1, 256, 2048>}, {pipeline_mode = #tpu.pipeline_mode<synchronous>, transform_indices = @transform_1, window_bounds = array<i64: 256, 1>}, {pipeline_mode = #tpu.pipeline_mode<synchronous>, transform_indices = @transform_2, window_bounds = array<i64: 256, 1>}, {transform_indices = @transform_3, window_bounds = array<i64: 1, 256, 2048>}]} {
    %get3A = arith.constant 0 : index
    %get3A_0 = arith.constant 0 : index
    %get3A_1 = arith.constant 0 : index
    %get3A_2 = vector.load %arg2[%get3A, %get3A_0, %get3A_1] : memref<1x256x2048xf32, #tpu.memory_space<vmem>>, vector<1x256x2048xf32>
    %get3A_3 = vector.shape_cast %get3A_2 : vector<1x256x2048xf32> to vector<256x2048xf32>
    %get3A_4 = arith.constant 0 : index
    %get3A_5 = arith.constant 0 : index
    %get3A_6 = vector.load %arg3[%get3A_4, %get3A_5] : memref<256x1xf32, #tpu.memory_space<vmem>>, vector<256x1xf32>
    %mul3A = vector.broadcast %get3A_6 : vector<256x1xf32> to vector<256x2048xf32>
    %mul3A_7 = arith.mulf %get3A_3, %mul3A : vector<256x2048xf32>
    %get3A_8 = arith.constant 0 : index
    %get3A_9 = arith.constant 0 : index
    %get3A_10 = vector.load %arg4[%get3A_8, %get3A_9] : memref<256x1xf32, #tpu.memory_space<vmem>>, vector<256x1xf32>
    %add3A = vector.broadcast %get3A_10 : vector<256x1xf32> to vector<256x2048xf32>
    %add3A_11 = arith.addf %mul3A_7, %add3A : vector<256x2048xf32>
    %max3A = arith.constant 0.000000e+00 : f32
    %max3A_12 = vector.broadcast %max3A : f32 to vector<256x2048xf32>
    %max3A_13 = arith.maximumf %add3A_11, %max3A_12 : vector<256x2048xf32>
    %swap3A = arith.constant 0 : index
    %swap3A_14 = arith.constant 0 : index
    %swap3A_15 = arith.constant 0 : index
    %swap3A_16 = vector.load %arg5[%swap3A, %swap3A_14, %swap3A_15] : memref<1x256x2048xf32, #tpu.memory_space<vmem>>, vector<1x256x2048xf32>
    %swap3A_17 = vector.shape_cast %swap3A_16 : vector<1x256x2048xf32> to vector<256x2048xf32>
    %swap3A_18 = vector.shape_cast %max3A_13 : vector<256x2048xf32> to vector<1x256x2048xf32>
    tpu.vector_store %arg5[%swap3A, %swap3A_14, %swap3A_15], %swap3A_18 {strides = array<i32>} : memref<1x256x2048xf32, #tpu.memory_space<vmem>>, vector<1x256x2048xf32>,
    return
  }
  func.func @transform_0(%arg0: i32, %arg1: i32) -> (i32, i32, i32) {
    %c0_i32 = arith.constant 0 : i32
    %c0_i32_0 = arith.constant 0 : i32
    return %arg0, %c0_i32, %arg1 : i32, i32, i32
  }
  func.func @transform_1(%arg0: i32, %arg1: i32) -> (i32, i32) {
    %c0_i32 = arith.constant 0 : i32
    %c0_i32_0 = arith.constant 0 : i32
    %c0_i32_1 = arith.constant 0 : i32
    return %c0_i32, %c0_i32_0 : i32, i32
  }
  func.func @transform_2(%arg0: i32, %arg1: i32) -> (i32, i32) {
    %c0_i32 = arith.constant 0 : i32
    %c0_i32_0 = arith.constant 0 : i32
    %c0_i32_1 = arith.constant 0 : i32
    return %c0_i32, %c0_i32_0 : i32, i32
  }
  func.func @transform_3(%arg0: i32, %arg1: i32) -> (i32, i32, i32) {
    %c0_i32 = arith.constant 0 : i32
    %c0_i32_0 = arith.constant 0 : i32
    return %arg0, %c0_i32, %arg1 : i32, i32, i32
  }
}

</mosaic_0001>

<sc_bundles>
// kernel: kernel.8.cloned.1.call-start
scs
__scs_entry_jumppad:
0x0: {  	(pc) =	sbr.rel $0x88, $3  }
0x1: {  	(tag) =	ssettag $0x0;
	lr =	simm.s32 $0x1  }
0x2: {  	[smem:$0x3F95] =	sst lr;
	_ =	strace $0xD0000000  }
0x3: {  	_ = 	snop  }
0x4: {  	_ = 	snop  }
0x5: {  	_ = 	snop  }
0x6: {  	_ = 	snop  }
0x7: {  	_ = 	snop  }
__scs_overlays_trampoline_lowered:
0x8: {  	[smem:$0x3FA4] =	sst s0  }
0x9: {  	[smem:$0x3FA5] =	sst s1  }
0xa: {  	[smem:$0x3FA6] =	sst s2  }
0xb: {  	[smem:$0x3FA7] =	sst s3  }
0xc: {  	[smem:$0x3FA8] =	sst s4  }
0xd: {  	[smem:$0x3FA9] =	sst s5  }
0xe: {  	[smem:$0x3FAA] =	sst s6  }
0xf: {  	[smem:$0x3FAB] =	sst s7  }
0x10: {  	[smem:$0x3FAC] =	sst s8  }
0x11: {  	[smem:$0x3FAD] =	sst s9;
	s0 =	simm.s32 @!p0 $0x0  }
0x12: {  	s1 =	sld [smem:$0x3F93];
	s0 =	simm.s32 @p0 $0x1  }
0x13: {  	[smem:$0x3FAE] =	sst s0;
	s0 =	simm.s32 @!p1 $0x0  }
0x14: {  	s2 =	sld [smem:$0x3F92];
	s0 =	simm.s32 @p1 $0x1  }
0x15: {  	[smem:$0x3FAF] =	sst s0;
	s0 =	simm.s32 @!p2 $0x0  }
0x16: {  	s3 =	sld [smem:$0x3FDB];
	s0 =	simm.s32 @p2 $0x1  }
0x17: {  	s4 =	simm.s32 $0x1BF5;
	[smem:$0x3FB1] =	sst s0  }
0x18: {  	s0 =	sld [smem:$0x3F94];
	_ =	swait.ge [sflag:s4], $0x0  }
0x19: {  	s7 =	sld [smem:$0x3F95]  }
0x1a: {  	s8 =	sadd.s32 $0xFFFFE003, lr  }
0x1b: {  	s9 =	sadd.s32 $0xFFFFFEF7, lr;
	s5 =	simm.s32 $0xFFFFFFFF;
	p2 =	slt.u32 s8, $0xFFFFF086  }
0x1c: {  	p1 =	slt.u32 s9, $0xF7A;
	s5 =	simm.s32 @!p2 $0x0  }
0x1d: {  	s5 =	simm.s32 @p1 $0x1;
	p0 =	seq.s32 s7, s2  }
0x1e: {  	s7 =	smul.u32 @!p0 $0xF7A, s2;
	p2 =	seq.s32 @!p0 s5, $0x0  }
0x1f: {  	s9 =	smul.u32 $0xF7A, s1;
	s8 =	simm.s32 @!p0 $0x1BF5;
	p2 =	por !p2, p0  }
0x20: {  	[sflag:s8] =	ssyncset.s32 @!p0 $0xFFFFF086;
	s6 =	sadd.s32 @!p0 s3, s7;
	s7 =	simm.s32 @!p0 $0x108  }
0x21: {  	s3 =	sadd.s32 s3, s9;
	s6 =	sadd.s32 @!p0 $0x88, s6;
	s7 =	simm.s32 @p2 $0x1082  }
0x22: {  	[simem:s7], [sflag:s8] =	dma.local @!p0 [hbm:s6], $0xF7A  }
0x23: {  	s9 =	sor.u32 $0xD0000000, s2;
	s6 =	simm.s32 $0x108;
	_ =	swait.ge @!p0 [sflag:s8], $0x0  }
0x24: {  	s3 =	sadd.s32 $0x88, s3;
	s6 =	simm.s32 @!p1 $0x1082;
	[sflag:s4] =	ssyncset.s32 $0xFFFFF086  }
0x25: {  	[simem:s6], [sflag:s4] =	dma.local [hbm:s3], $0xF7A  }
0x26: {  	[smem:$0x3F95] =	sst s1;
	(tag) =	ssettag s2;
	_ =	strace s9  }
0x27: {  	s1 =	sld [smem:$0x3FA5]  }
0x28: {  	s2 =	sld [smem:$0x3FA6]  }
0x29: {  	s4 =	sld [smem:$0x3FA8]  }
0x2a: {  	p0 =	seq.s32 s5, $0x0;
	s5 =	sld [smem:$0x3FA9]  }
0x2b: {  	s6 =	sld [smem:$0x3FAA]  }
0x2c: {  	s7 =	sld [smem:$0x3FAB]  }
0x2d: {  	s3 =	simm.s32 $0x108;
	s8 =	sld [smem:$0x3FAC]  }
0x2e: {  	s3 =	simm.s32 @!p0 $0x1082;
	s9 =	sld [smem:$0x3FAD]  }
0x2f: {  	lr =	sadd.s32 s0, s3;
	s0 =	sld [smem:$0x3FA4]  }
0x30: {  	s3 =	sld [smem:$0x3FA7]  }
0x31: {  	[smem:$0x3FB0] =	sst s10  }
0x32: {  	s10 =	sld [smem:$0x3FAE];
	_ =	sdelay $0x3  }
0x33: {  	p0 =	seq.s32 s10, $0x1;
	s10 =	sld [smem:$0x3FB0];
	_ =	sdelay $0x3  }
0x34: {  	[smem:$0x3FB0] =	sst s10  }
0x35: {  	s10 =	sld [smem:$0x3FAF];
	_ =	sdelay $0x3  }
0x36: {  	p1 =	seq.s32 s10, $0x1;
	s10 =	sld [smem:$0x3FB0];
	_ =	sdelay $0x3  }
0x37: {  	[smem:$0x3FB0] =	sst s10  }
0x38: {  	s10 =	sld [smem:$0x3FB1]  }
0x39: {  	_ = 	snop;
	(pc) =	sbr.ind lr, $3  }
0x3a: {  	_ = 	snop  }
0x3b: {  	_ = 	snop  }
0x3c: {  	p2 =	seq.s32 s10, $0x1;
	s10 =	sld [smem:$0x3FB0]  }
0x3d: {  	_ =	shalt  }
0x3e: {  	_ =	shalt  }
0x3f: {  	_ =	shalt  }
0x40: {  	_ =	shalt  }
0x41: {  	_ =	shalt  }
0x42: {  	_ =	shalt  }
0x43: {  	_ =	shalt  }
0x44: {  	_ =	shalt  }
0x45: {  	_ =	shalt  }
0x46: {  	_ =	shalt  }
0x47: {  	_ =	shalt  }
0x48: {  	_ =	shalt  }
0x49: {  	_ =	shalt  }
0x4a: {  	_ =	shalt  }
0x4b: {  	_ =	shalt  }
0x4c: {  	_ =	shalt  }
0x4d: {  	_ =	shalt  }
0x4e: {  	_ =	shalt  }
0x4f: {  	_ =	shalt  }
0x50: {  	_ =	shalt  }
0x51: {  	_ =	shalt  }
0x52: {  	_ =	shalt  }
0x53: {  	_ =	shalt  }
0x54: {  	_ =	shalt  }
0x55: {  	_ =	shalt  }
0x56: {  	_ =	shalt  }
0x57: {  	_ =	shalt  }
0x58: {  	_ =	shalt  }
0x59: {  	_ =	shalt  }
0x5a: {  	_ =	shalt  }
0x5b: {  	_ =	shalt  }
0x5c: {  	_ =	shalt  }
0x5d: {  	_ =	shalt  }
0x5e: {  	_ =	shalt  }
0x5f: {  	_ =	shalt  }
0x60: {  	_ =	shalt  }
0x61: {  	_ =	shalt  }
0x62: {  	_ =	shalt  }
0x63: {  	_ =	shalt  }
0x64: {  	_ =	shalt  }
0x65: {  	_ =	shalt  }
0x66: {  	_ =	shalt  }
0x67: {  	_ =	shalt  }
0x68: {  	_ =	shalt  }
0x69: {  	_ =	shalt  }
0x6a: {  	_ =	shalt  }
0x6b: {  	_ =	shalt  }
0x6c: {  	_ =	shalt  }
0x6d: {  	_ =	shalt  }
0x6e: {  	_ =	shalt  }
0x6f: {  	_ =	shalt  }
0x70: {  	_ =	shalt  }
0x71: {  	_ =	shalt  }
0x72: {  	_ =	shalt  }
0x73: {  	_ =	shalt  }
0x74: {  	_ =	shalt  }
0x75: {  	_ =	shalt  }
0x76: {  	_ =	shalt  }
0x77: {  	_ =	shalt  }
0x78: {  	_ =	shalt  }
0x79: {  	_ =	shalt  }
0x7a: {  	_ =	shalt  }
0x7b: {  	_ =	shalt  }
0x7c: {  	_ =	shalt  }
0x7d: {  	_ =	shalt  }
0x7e: {  	_ =	shalt  }
0x7f: {  	_ =	shalt  }
0x80: {  	_ =	shalt  }
0x81: {  	_ =	shalt  }
0x82: {  	_ =	shalt  }
0x83: {  	_ =	shalt  }
0x84: {  	_ =	shalt  }
0x85: {  	_ =	shalt  }
0x86: {  	_ =	shalt  }
0x87: {  	_ =	shalt  }
.Lfunc_end0:
.L_simem_size_0:
called_computation_lowered:
.L_overlay_start_0:
0x88: {  	s2 =	sld [smem:$0x3FD9]  }
0x89: {  	s3 =	sld [smem:$0x3FFE];
	_ =	sdelay $0x1  }
0x8a: {  	s1 =	srdreg.scid  }
0x8b: {  	s0 =	sand.u32 $0x1, s1  }
0x8c: {  	s16 =	sshll.u32 s0, $0xA;
	s2 =	sadd.s32 s3, s2  }
0x8d: {  	s2 =	sadd.s32 s2, s16  }
0x8e: {  	[smem:$0x3FBC] =	sst s2  }
0x8f: {  	_ = 	snop  }
0x90: {  	(tm) =	ssettm $0x1  }
0x91: {  	s17 =	sld [smem:$0x3FFB];
	_ =	sdelay $0x3  }
0x92: {  	_ =	strace s17  }
0x93: {  	s2 =	sld [smem:$0x3FFC];
	_ =	sdelay $0x3  }
0x94: {  	_ =	strace s2  }
0x95: {  	s2 =	sld [smem:$0x3FFD];
	_ =	sdelay $0x3  }
0x96: {  	_ =	strace s2  }
0x97: {  	_ =	strace $0x8FFFFFFF  }
0x98: {  	s18 =	sld [smem:$0x3FDB];
	_ =	sdelay $0x1  }
0x99: {  	s19 =	simm.s32 $_scs_section_size  }
0x9a: {  	s4 =	simm.s32 $_size__tile_overlayer_lowered;
	s5 =	simm.s32 $_tile_overlayer_lowered  }
0x9b: {  	s22 =	simm.s32 $0x1BFF;
	s21 =	sshll.u32 s5, $0x1;
	s2 =	sadd.s32 s19, s18  }
0x9c: {  	s6 =	simm.s32 $0x0;
	s20 =	sshll.u32 s4, $0x1;
	s4 =	sadd.s32 s21, s2  }
0x9d: {  	[timem:s6], [sflag:s22] =	dma.local [hbm:s4], s20  }
0x9e: {  	_ =	swait.ge [sflag:s22], s20  }
0x9f: {  	s3 =	ssub.s32 $0x0, s20;
	[sflag:s22] =	ssyncset.done $0x0  }
0xa0: {  	[sflag:s22] =	ssyncadd.s32 s3;
	_ =	sdelay $0x1  }
0xa1: {  	s23 =	simm.s32 $0x1B8B  }
0xa2: {  	_ =	swait.ge [sflag:s23], $0x1  }
0xa3: {  	[sflag:s23] =	ssyncset.done $0x0  }
0xa4: {  	s25 =	simm.s32 $0x1B8E;
	s24 =	sld [smem:$0x3FFE];
	[sflag:s23] =	ssyncadd.s32 $0xFFFFFFFF  }
0xa5: {  	s26 =	simm.s32 $execute0_lowered;
	[smem:$0x3FD2] =	sst s25  }
0xa6: {  	s4 =	sshll.u32 s26, $0x1;
	_ =	strace $0x80000046;
	[dreg:$0x1] =	wrdreg $0xFFFFFFFF  }
0xa7: {  	s28 =	simm.s32 $_size_execute0_lowered;
	s2 =	sadd.s32 s2, s4;
	[dreg:$0x0] =	wrdreg $0x0  }
0xa8: {  	s4 =	sshll.u32 s28, $0x1;
	[dreg:$0x2] =	wrdreg s2  }
0xa9: {  	[dreg:$0x3] =	wrdreg s4  }
0xaa: {  	[dreg:$0x4] =	wrdreg $0xC0  }
0xab: {  	_ =	task [dreg:s6], $0x5FFFF  }
0xac: {  	[dreg:$0x1] =	wrdreg $0xFFFFFFFF  }
0xad: {  	[dreg:$0x0] =	wrdreg $0x60  }
0xae: {  	[dreg:$0x2] =	wrdreg s24  }
0xaf: {  	[dreg:$0x3] =	wrdreg $0x9  }
0xb0: {  	_ =	task.clear_ibuf [dreg:s6], $0x4FFFF;
	_ =	strace $0x90000046  }
0xb1: {  	s29 =	simm.s32 $0x9;
	_ =	strace $0x80000048  }
0xb2: {  	_ =	swait.ge [sflag:s29], $0x1  }
0xb3: {  	[sflag:s29] =	ssyncadd.s32 $0xFFFFFFFF  }
0xb4: {  	_ =	strace $0x90000048  }
0xb5: {  	_ =	sfence  }
0xb6: {  	s30 =	sld [smem:$0x0];
	_ =	sdelay $0x2  }
0xb7: {  	s31 =	sshll.u32 s1, $0xD;
	s1 =	sshrl.u32 s1, $0x2  }
0xb8: {  	s3 =	sand.u32 $0x4000, s31;
	s1 =	sadd.s32 s1, s30  }
0xb9: {  	s0 =	sor.u32 s3, s0;
	s1 =	sshll.u32 s1, $0x11  }
0xba: {  	s0 =	sor.u32 s1, s0  }
0xbb: {  	s0 =	sadd.s32 $0x8F2B, s0  }
0xbc: {  	[sflag:s0] =	ssyncadd.remote.s32 $0x1  }
0xbd: {  	_ =	sfence.sel $0xFFFF  }
0xbe: {  	[dreg:$0x0] =	wrdreg $0xFFFFFFFF;
	(pc) =	sbr.abs _section_cstart, $3  }
0xbf: {  	[dreg:$0x1] =	wrdreg $0xFFFFFFFF  }
0xc0: {  	_ =	task.clear_ibuf [dreg:s6], $0x2FFFF;
	_ =	strace $0x9FFFFFFF  }
0xc1: {  	(tm) =	ssettm $0x7FFFFFFF  }
tec
execute0_lowered:
.L_overlay_start_1:
0x0: {  	(tag) =	ssettag $0x1  }
0x1: {  	s1 =	srdreg.scid;
	s0 =	stileid.u32  }
0x2: {  	s1 =	sand.u32 $0x1, s1;
	s2 =	sshll.u32 s0, $0x1  }
0x3: {  	s16 =	sor.u32 s1, s2  }
0x4: {  	s3 =	smul.u32 $0xC0, s16  }
0x5: {  	s5 =	rddreg [dreg:$0x0];
	s4 =	smul.u32 $0x6000, s16  }
0x6: {  	s17 =	sadd.s32 $0x14200, s5;
	s2 =	simm.s32 $0x0;
	s3 =	sadd.s32 s3, s5  }
0x7: {  	[smem:$0x7FF] =	sst s2;
	s6 =	sadd.s32 $0x12A00, s3;
	s3 =	sadd.s32 s17, s4  }
0x8: {  	_ =	strace $0x80000047;
	[dreg:$0x2] =	wrdreg s6;
	s4 =	sadd.s32 $0x800, s3  }
0x9: {  	[dreg:$0x3] =	wrdreg s4  }
0xa: {  	s24 =	sadd.s32 $0x1000, s3;
	s6 =	rddreg [dreg:$0x2]  }
0xb: {  	s25 =	sadd.s32 $0x1800, s3;
	[dreg:$0x4] =	wrdreg s24  }
0xc: {  	[dreg:$0x5] =	wrdreg s25;
	s4 =	simm.s32 $0x5  }
0xd: {  	[tilespmem:s2], [sflag:$0x5] =	stream.linear.gather [hbm4b:s6+s2], $0x600, $0x38;
	[tilespmem:$0x8600] =	vst v63  }
0xe: {  	_ =	swait.ge [sflag:s4], $0x600  }
0xf: {  	s7 =	simm.s32 $0x600;
	[sflag:s4] =	ssyncset.done $0x0  }
0x10: {  	s5 =	sadd.s32 $0x2A00, s5;
	s6 =	simm.s32 $0x80;
	[sflag:s4] =	ssyncadd.s32 $0xFFFFFA00  }
0x11: {  	[tilespmem:s7], [sflag:$0x1] =	stream.indirect.gather [hbm4b:s5+s6], $0x80, s2, s6, $0xb8;
	[tilespmem:$0x8600] =	vst v63  }
0x12: {  	s8 =	simm.s32 $0x4600;
	s9 =	simm.s32 $0x1  }
0x13: {  	[tilespmem:s8], [sflag:$0x2] =	stream.indirect.gather [hbm4b:s5+s6], $0x80, s6, s6, $0xb8;
	[tilespmem:$0x8600] =	vst v63  }
0x14: {  	_ =	swait.ge [sflag:s9], $0x4000  }
0x15: {  	[sflag:s9] =	ssyncset.done $0x0  }
0x16: {  	s10 =	simm.s32 $0x3;
	[sflag:s9] =	ssyncadd.s32 $0xFFFFC000  }
0x17: {  	[hbm4b:s3+s2] =	stream.linear.scatter [tilespmem:s7], [sflag:$0x3], $0x4000, $0x38;
	[tilespmem:$0x8600] =	vst v63  }
0x18: {  	_ =	swait.ge [sflag:s10], $0x4000  }
0x19: {  	[sflag:s10] =	ssyncset.done $0x0  }
0x1a: {  	s11 =	simm.s32 $0x100;
	s12 =	simm.s32 $0x2;
	[sflag:s10] =	ssyncadd.s32 $0xFFFFC000  }
0x1b: {  	[tilespmem:s7], [sflag:$0x1] =	stream.indirect.gather [hbm4b:s5+s6], $0x80, s11, s6, $0xb8;
	[tilespmem:$0x8600] =	vst v63  }
0x1c: {  	_ =	swait.ge [sflag:s12], $0x4000  }
0x1d: {  	[sflag:s12] =	ssyncset.done $0x0  }
0x1e: {  	s13 =	simm.s32 $0x4;
	s14 =	rddreg [dreg:$0x3];
	[sflag:s12] =	ssyncadd.s32 $0xFFFFC000  }
0x1f: {  	[hbm4b:s14+s2] =	stream.linear.scatter [tilespmem:s8], [sflag:$0x4], $0x4000, $0x38;
	[tilespmem:$0x8600] =	vst v63  }
0x20: {  	_ =	swait.ge [sflag:s13], $0x4000  }
0x21: {  	[sflag:s13] =	ssyncset.done $0x0  }
0x22: {  	s14 =	simm.s32 $0x180;
	[sflag:s13] =	ssyncadd.s32 $0xFFFFC000  }
0x23: {  	[tilespmem:s8], [sflag:$0x2] =	stream.indirect.gather [hbm4b:s5+s6], $0x80, s14, s6, $0xb8;
	[tilespmem:$0x8600] =	vst v63  }
0x24: {  	_ =	swait.ge [sflag:s9], $0x4000  }
0x25: {  	[sflag:s9] =	ssyncset.done $0x0  }
0x26: {  	s15 =	rddreg [dreg:$0x4];
	[sflag:s9] =	ssyncadd.s32 $0xFFFFC000  }
0x27: {  	[hbm4b:s15+s2] =	stream.linear.scatter [tilespmem:s7], [sflag:$0x3], $0x4000, $0x38;
	[tilespmem:$0x8600] =	vst v63  }
0x28: {  	_ =	swait.ge [sflag:s10], $0x4000  }
0x29: {  	[sflag:s10] =	ssyncset.done $0x0  }
0x2a: {  	s15 =	simm.s32 $0x200;
	[sflag:s10] =	ssyncadd.s32 $0xFFFFC000  }
0x2b: {  	[tilespmem:s7], [sflag:$0x1] =	stream.indirect.gather [hbm4b:s5+s6], $0x80, s15, s6, $0xb8;
	[tilespmem:$0x8600] =	vst v63  }
0x2c: {  	_ =	swait.ge [sflag:s12], $0x4000  }
0x2d: {  	[sflag:s12] =	ssyncset.done $0x0  }
0x2e: {  	s18 =	rddreg [dreg:$0x5];
	[sflag:s12] =	ssyncadd.s32 $0xFFFFC000  }
0x2f: {  	[hbm4b:s18+s2] =	stream.linear.scatter [tilespmem:s8], [sflag:$0x4], $0x4000, $0x38;
	[tilespmem:$0x8600] =	vst v63  }
0x30: {  	_ =	swait.ge [sflag:s13], $0x4000  }
0x31: {  	[sflag:s13] =	ssyncset.done $0x0  }
0x32: {  	s26 =	smul.u32 $0x30000, s16;
	s16 =	simm.s32 $0x280;
	[sflag:s13] =	ssyncadd.s32 $0xFFFFC000  }
0x33: {  	[tilespmem:s8], [sflag:$0x2] =	stream.indirect.gather [hbm4b:s5+s6], $0x80, s16, s6, $0xb8;
	[tilespmem:$0x8600] =	vst v63  }
0x34: {  	s18 =	sshrl.u32 s26, $0x3;
	_ =	swait.ge [sflag:s9], $0x4000  }
0x35: {  	s31 =	sadd.s32 s17, s18;
	[sflag:s9] =	ssyncset.done $0x0  }
0x36: {  	s17 =	sadd.s32 $0x2000, s31;
	[sflag:s9] =	ssyncadd.s32 $0xFFFFC000  }
0x37: {  	[hbm4b:s17+s2] =	stream.linear.scatter [tilespmem:s7], [sflag:$0x3], $0x4000, $0x38;
	[tilespmem:$0x8600] =	vst v63  }
0x38: {  	_ =	swait.ge [sflag:s10], $0x4000  }
0x39: {  	[sflag:s10] =	ssyncset.done $0x0  }
0x3a: {  	s18 =	simm.s32 $0x300;
	[sflag:s10] =	ssyncadd.s32 $0xFFFFC000  }
0x3b: {  	[tilespmem:s7], [sflag:$0x1] =	stream.indirect.gather [hbm4b:s5+s6], $0x80, s18, s6, $0xb8;
	[tilespmem:$0x8600] =	vst v63  }
0x3c: {  	_ =	swait.ge [sflag:s12], $0x4000  }
0x3d: {  	[sflag:s12] =	ssyncset.done $0x0  }
0x3e: {  	s19 =	sadd.s32 $0x2800, s31;
	[sflag:s12] =	ssyncadd.s32 $0xFFFFC000  }
0x3f: {  	[hbm4b:s19+s2] =	stream.linear.scatter [tilespmem:s8], [sflag:$0x4], $0x4000, $0x38;
	[tilespmem:$0x8600] =	vst v63  }
0x40: {  	_ =	swait.ge [sflag:s13], $0x4000  }
0x41: {  	[sflag:s13] =	ssyncset.done $0x0  }
0x42: {  	s20 =	simm.s32 $0x380;
	[sflag:s13] =	ssyncadd.s32 $0xFFFFC000  }
0x43: {  	[tilespmem:s8], [sflag:$0x2] =	stream.indirect.gather [hbm4b:s5+s6], $0x80, s20, s6, $0xb8;
	[tilespmem:$0x8600] =	vst v63  }
0x44: {  	_ =	swait.ge [sflag:s9], $0x4000  }
0x45: {  	[sflag:s9] =	ssyncset.done $0x0  }
0x46: {  	s21 =	sadd.s32 $0x3000, s31;
	[sflag:s9] =	ssyncadd.s32 $0xFFFFC000  }
0x47: {  	[hbm4b:s21+s2] =	stream.linear.scatter [tilespmem:s7], [sflag:$0x3], $0x4000, $0x38;
	[tilespmem:$0x8600] =	vst v63  }
0x48: {  	_ =	swait.ge [sflag:s10], $0x4000  }
0x49: {  	[sflag:s10] =	ssyncset.done $0x0  }
0x4a: {  	s22 =	simm.s32 $0x400;
	[sflag:s10] =	ssyncadd.s32 $0xFFFFC000  }
0x4b: {  	[tilespmem:s7], [sflag:$0x1] =	stream.indirect.gather [hbm4b:s5+s6], $0x80, s22, s6, $0xb8;
	[tilespmem:$0x8600] =	vst v63  }
0x4c: {  	_ =	swait.ge [sflag:s12], $0x4000  }
0x4d: {  	[sflag:s12] =	ssyncset.done $0x0  }
0x4e: {  	s23 =	sadd.s32 $0x3800, s31;
	[sflag:s12] =	ssyncadd.s32 $0xFFFFC000  }
0x4f: {  	[hbm4b:s23+s2] =	stream.linear.scatter [tilespmem:s8], [sflag:$0x4], $0x4000, $0x38;
	[tilespmem:$0x8600] =	vst v63  }
0x50: {  	_ =	swait.ge [sflag:s13], $0x4000  }
0x51: {  	[sflag:s13] =	ssyncset.done $0x0  }
0x52: {  	s24 =	simm.s32 $0x480;
	[sflag:s13] =	ssyncadd.s32 $0xFFFFC000  }
0x53: {  	[tilespmem:s8], [sflag:$0x2] =	stream.indirect.gather [hbm4b:s5+s6], $0x80, s24, s6, $0xb8;
	[tilespmem:$0x8600] =	vst v63  }
0x54: {  	_ =	swait.ge [sflag:s9], $0x4000  }
0x55: {  	[sflag:s9] =	ssyncset.done $0x0  }
0x56: {  	s25 =	sadd.s32 $0x4000, s31;
	[sflag:s9] =	ssyncadd.s32 $0xFFFFC000  }
0x57: {  	[hbm4b:s25+s2] =	stream.linear.scatter [tilespmem:s7], [sflag:$0x3], $0x4000, $0x38;
	[tilespmem:$0x8600] =	vst v63  }
0x58: {  	_ =	swait.ge [sflag:s10], $0x4000  }
0x59: {  	[sflag:s10] =	ssyncset.done $0x0  }
0x5a: {  	s26 =	simm.s32 $0x500;
	[sflag:s10] =	ssyncadd.s32 $0xFFFFC000  }
0x5b: {  	[tilespmem:s7], [sflag:$0x1] =	stream.indirect.gather [hbm4b:s5+s6], $0x80, s26, s6, $0xb8;
	[tilespmem:$0x8600] =	vst v63  }
0x5c: {  	_ =	swait.ge [sflag:s12], $0x4000  }
0x5d: {  	[sflag:s12] =	ssyncset.done $0x0  }
0x5e: {  	s28 =	sadd.s32 $0x4800, s31;
	[sflag:s12] =	ssyncadd.s32 $0xFFFFC000  }
0x5f: {  	[hbm4b:s28+s2] =	stream.linear.scatter [tilespmem:s8], [sflag:$0x4], $0x4000, $0x38;
	[tilespmem:$0x8600] =	vst v63  }
0x60: {  	_ =	swait.ge [sflag:s13], $0x4000  }
0x61: {  	[sflag:s13] =	ssyncset.done $0x0  }
0x62: {  	s29 =	simm.s32 $0x580;
	[sflag:s13] =	ssyncadd.s32 $0xFFFFC000  }
0x63: {  	[tilespmem:s8], [sflag:$0x2] =	stream.indirect.gather [hbm4b:s5+s6], $0x80, s29, s6, $0xb8;
	[tilespmem:$0x8600] =	vst v63  }
0x64: {  	_ =	swait.ge [sflag:s9], $0x4000  }
0x65: {  	s1 =	ssub.s32 $0x2, s1;
	[sflag:s9] =	ssyncset.done $0x0  }
0x66: {  	s0 =	sshrl.u32 s1, $0x1;
	s30 =	sadd.s32 $0x5000, s31;
	[sflag:s9] =	ssyncadd.s32 $0xFFFFC000  }
0x67: {  	[hbm4b:s30+s2] =	stream.linear.scatter [tilespmem:s7], [sflag:$0x3], $0x4000, $0x38;
	[tilespmem:$0x8600] =	vst v63  }
0x68: {  	s0 =	ssub.s32 s1, s0;
	_ =	swait.ge [sflag:s12], $0x4000  }
0x69: {  	s0 =	smax.u32 s0, $0x1;
	[sflag:s12] =	ssyncset.done $0x0  }
0x6a: {  	p0 =	sne.s32 s0, $0x1;
	s31 =	sadd.s32 $0x5800, s31;
	[sflag:s12] =	ssyncadd.s32 $0xFFFFC000  }
0x6b: {  	[hbm4b:s31+s2] =	stream.linear.scatter [tilespmem:s8], [sflag:$0x5], $0x4000, $0x38;
	[tilespmem:$0x8600] =	vst v63  }
.Ltmp0:
0x6c: {  	_ =	swait.ge [sflag:s4], $0x4000;
	(pc) =	sbr.rel @!p0 .LBB2_2-.Ltmp0, $4  }
0x6d: {  	[sflag:s4] =	ssyncset.done $0x0  }
0x6e: {  	[sflag:s4] =	ssyncadd.s32 $0xFFFFC000  }
0x6f: {  	_ =	swait.ge [sflag:s10], $0x4000  }
0x70: {  	s1 =	sadd.s32 $0xFFFFFFFF, s0;
	[sflag:s10] =	ssyncset.done $0x0  }
.LBB2_1:
0x71: {  	s0 =	rddreg [dreg:$0x2];
	[sflag:s10] =	ssyncadd.s32 $0xFFFFC000  }
0x72: {  	[tilespmem:s2], [sflag:$0x5] =	stream.linear.gather [hbm4b:s0+s2], $0x600, $0x38;
	[tilespmem:$0x8600] =	vst v63  }
0x73: {  	_ =	swait.ge [sflag:s4], $0x600  }
0x74: {  	[sflag:s4] =	ssyncset.done $0x0  }
0x75: {  	[sflag:s4] =	ssyncadd.s32 $0xFFFFFA00  }
0x76: {  	[tilespmem:s7], [sflag:$0x1] =	stream.indirect.gather [hbm4b:s5+s6], $0x80, s2, s6, $0xb8;
	[tilespmem:$0x8600] =	vst v63  }
0x77: {  	_ = 	snop  }
0x78: {  	[tilespmem:s8], [sflag:$0x2] =	stream.indirect.gather [hbm4b:s5+s6], $0x80, s6, s6, $0xb8;
	[tilespmem:$0x8600] =	vst v63  }
0x79: {  	_ =	swait.ge [sflag:s9], $0x4000  }
0x7a: {  	[sflag:s9] =	ssyncset.done $0x0  }
0x7b: {  	[sflag:s9] =	ssyncadd.s32 $0xFFFFC000  }
0x7c: {  	[hbm4b:s3+s2] =	stream.linear.scatter [tilespmem:s7], [sflag:$0x3], $0x4000, $0x38;
	[tilespmem:$0x8600] =	vst v63  }
0x7d: {  	_ =	swait.ge [sflag:s10], $0x4000  }
0x7e: {  	[sflag:s10] =	ssyncset.done $0x0  }
0x7f: {  	[sflag:s10] =	ssyncadd.s32 $0xFFFFC000  }
0x80: {  	[tilespmem:s7], [sflag:$0x1] =	stream.indirect.gather [hbm4b:s5+s6], $0x80, s11, s6, $0xb8;
	[tilespmem:$0x8600] =	vst v63  }
0x81: {  	_ =	swait.ge [sflag:s12], $0x4000  }
0x82: {  	[sflag:s12] =	ssyncset.done $0x0  }
0x83: {  	s0 =	rddreg [dreg:$0x3];
	[sflag:s12] =	ssyncadd.s32 $0xFFFFC000  }
0x84: {  	[hbm4b:s0+s2] =	stream.linear.scatter [tilespmem:s8], [sflag:$0x4], $0x4000, $0x38;
	[tilespmem:$0x8600] =	vst v63  }
0x85: {  	_ =	swait.ge [sflag:s13], $0x4000  }
0x86: {  	[sflag:s13] =	ssyncset.done $0x0  }
0x87: {  	[sflag:s13] =	ssyncadd.s32 $0xFFFFC000  }
0x88: {  	[tilespmem:s8], [sflag:$0x2] =	stream.indirect.gather [hbm4b:s5+s6], $0x80, s14, s6, $0xb8;
	[tilespmem:$0x8600] =	vst v63  }
0x89: {  	_ =	swait.ge [sflag:s9], $0x4000  }
0x8a: {  	[sflag:s9] =	ssyncset.done $0x0  }
0x8b: {  	s0 =	rddreg [dreg:$0x4];
	[sflag:s9] =	ssyncadd.s32 $0xFFFFC000  }
0x8c: {  	[hbm4b:s0+s2] =	stream.linear.scatter [tilespmem:s7], [sflag:$0x3], $0x4000, $0x38;
	[tilespmem:$0x8600] =	vst v63  }
0x8d: {  	_ =	swait.ge [sflag:s10], $0x4000  }
0x8e: {  	[sflag:s10] =	ssyncset.done $0x0  }
0x8f: {  	[sflag:s10] =	ssyncadd.s32 $0xFFFFC000  }
0x90: {  	[tilespmem:s7], [sflag:$0x1] =	stream.indirect.gather [hbm4b:s5+s6], $0x80, s15, s6, $0xb8;
	[tilespmem:$0x8600] =	vst v63  }
0x91: {  	_ =	swait.ge [sflag:s12], $0x4000  }
0x92: {  	[sflag:s12] =	ssyncset.done $0x0  }
0x93: {  	s0 =	rddreg [dreg:$0x5];
	[sflag:s12] =	ssyncadd.s32 $0xFFFFC000  }
0x94: {  	[hbm4b:s0+s2] =	stream.linear.scatter [tilespmem:s8], [sflag:$0x4], $0x4000, $0x38;
	[tilespmem:$0x8600] =	vst v63  }
0x95: {  	_ =	swait.ge [sflag:s13], $0x4000  }
0x96: {  	[sflag:s13] =	ssyncset.done $0x0  }
0x97: {  	[sflag:s13] =	ssyncadd.s32 $0xFFFFC000  }
0x98: {  	[tilespmem:s8], [sflag:$0x2] =	stream.indirect.gather [hbm4b:s5+s6], $0x80, s16, s6, $0xb8;
	[tilespmem:$0x8600] =	vst v63  }
0x99: {  	_ =	swait.ge [sflag:s9], $0x4000  }
0x9a: {  	[sflag:s9] =	ssyncset.done $0x0  }
0x9b: {  	[sflag:s9] =	ssyncadd.s32 $0xFFFFC000  }
0x9c: {  	[hbm4b:s17+s2] =	stream.linear.scatter [tilespmem:s7], [sflag:$0x3], $0x4000, $0x38;
	[tilespmem:$0x8600] =	vst v63  }
0x9d: {  	_ =	swait.ge [sflag:s10], $0x4000  }
0x9e: {  	[sflag:s10] =	ssyncset.done $0x0  }
0x9f: {  	[sflag:s10] =	ssyncadd.s32 $0xFFFFC000  }
0xa0: {  	[tilespmem:s7], [sflag:$0x1] =	stream.indirect.gather [hbm4b:s5+s6], $0x80, s18, s6, $0xb8;
	[tilespmem:$0x8600] =	vst v63  }
0xa1: {  	_ =	swait.ge [sflag:s12], $0x4000  }
0xa2: {  	[sflag:s12] =	ssyncset.done $0x0  }
0xa3: {  	[sflag:s12] =	ssyncadd.s32 $0xFFFFC000  }
0xa4: {  	[hbm4b:s19+s2] =	stream.linear.scatter [tilespmem:s8], [sflag:$0x4], $0x4000, $0x38;
	[tilespmem:$0x8600] =	vst v63  }
0xa5: {  	_ =	swait.ge [sflag:s13], $0x4000  }
0xa6: {  	[sflag:s13] =	ssyncset.done $0x0  }
0xa7: {  	[sflag:s13] =	ssyncadd.s32 $0xFFFFC000  }
0xa8: {  	[tilespmem:s8], [sflag:$0x2] =	stream.indirect.gather [hbm4b:s5+s6], $0x80, s20, s6, $0xb8;
	[tilespmem:$0x8600] =	vst v63  }
0xa9: {  	_ =	swait.ge [sflag:s9], $0x4000  }
0xaa: {  	[sflag:s9] =	ssyncset.done $0x0  }
0xab: {  	[sflag:s9] =	ssyncadd.s32 $0xFFFFC000  }
0xac: {  	[hbm4b:s21+s2] =	stream.linear.scatter [tilespmem:s7], [sflag:$0x3], $0x4000, $0x38;
	[tilespmem:$0x8600] =	vst v63  }
0xad: {  	_ =	swait.ge [sflag:s10], $0x4000  }
0xae: {  	[sflag:s10] =	ssyncset.done $0x0  }
0xaf: {  	[sflag:s10] =	ssyncadd.s32 $0xFFFFC000  }
0xb0: {  	[tilespmem:s7], [sflag:$0x1] =	stream.indirect.gather [hbm4b:s5+s6], $0x80, s22, s6, $0xb8;
	[tilespmem:$0x8600] =	vst v63  }
0xb1: {  	_ =	swait.ge [sflag:s12], $0x4000  }
0xb2: {  	[sflag:s12] =	ssyncset.done $0x0  }
0xb3: {  	[sflag:s12] =	ssyncadd.s32 $0xFFFFC000  }
0xb4: {  	[hbm4b:s23+s2] =	stream.linear.scatter [tilespmem:s8], [sflag:$0x4], $0x4000, $0x38;
	[tilespmem:$0x8600] =	vst v63  }
0xb5: {  	_ =	swait.ge [sflag:s13], $0x4000  }
0xb6: {  	[sflag:s13] =	ssyncset.done $0x0  }
0xb7: {  	[sflag:s13] =	ssyncadd.s32 $0xFFFFC000  }
0xb8: {  	[tilespmem:s8], [sflag:$0x2] =	stream.indirect.gather [hbm4b:s5+s6], $0x80, s24, s6, $0xb8;
	[tilespmem:$0x8600] =	vst v63  }
0xb9: {  	_ =	swait.ge [sflag:s9], $0x4000  }
0xba: {  	[sflag:s9] =	ssyncset.done $0x0  }
0xbb: {  	[sflag:s9] =	ssyncadd.s32 $0xFFFFC000  }
0xbc: {  	[hbm4b:s25+s2] =	stream.linear.scatter [tilespmem:s7], [sflag:$0x3], $0x4000, $0x38;
	[tilespmem:$0x8600] =	vst v63  }
0xbd: {  	_ =	swait.ge [sflag:s10], $0x4000  }
0xbe: {  	[sflag:s10] =	ssyncset.done $0x0  }
0xbf: {  	[sflag:s10] =	ssyncadd.s32 $0xFFFFC000  }
0xc0: {  	[tilespmem:s7], [sflag:$0x1] =	stream.indirect.gather [hbm4b:s5+s6], $0x80, s26, s6, $0xb8;
	[tilespmem:$0x8600] =	vst v63  }
0xc1: {  	_ =	swait.ge [sflag:s12], $0x4000  }
0xc2: {  	[sflag:s12] =	ssyncset.done $0x0  }
0xc3: {  	[sflag:s12] =	ssyncadd.s32 $0xFFFFC000  }
0xc4: {  	[hbm4b:s28+s2] =	stream.linear.scatter [tilespmem:s8], [sflag:$0x4], $0x4000, $0x38;
	[tilespmem:$0x8600] =	vst v63  }
0xc5: {  	_ =	swait.ge [sflag:s13], $0x4000  }
0xc6: {  	[sflag:s13] =	ssyncset.done $0x0  }
0xc7: {  	[sflag:s13] =	ssyncadd.s32 $0xFFFFC000  }
0xc8: {  	[tilespmem:s8], [sflag:$0x2] =	stream.indirect.gather [hbm4b:s5+s6], $0x80, s29, s6, $0xb8;
	[tilespmem:$0x8600] =	vst v63  }
0xc9: {  	_ =	swait.ge [sflag:s9], $0x4000  }
0xca: {  	[sflag:s9] =	ssyncset.done $0x0  }
0xcb: {  	[sflag:s9] =	ssyncadd.s32 $0xFFFFC000  }
0xcc: {  	[hbm4b:s30+s2] =	stream.linear.scatter [tilespmem:s7], [sflag:$0x3], $0x4000, $0x38;
	[tilespmem:$0x8600] =	vst v63  }
0xcd: {  	_ =	swait.ge [sflag:s12], $0x4000  }
0xce: {  	[sflag:s12] =	ssyncset.done $0x0  }
0xcf: {  	p0 =	sne.s32 s1, $0x1;
	[sflag:s12] =	ssyncadd.s32 $0xFFFFC000  }
0xd0: {  	[hbm4b:s31+s2] =	stream.linear.scatter [tilespmem:s8], [sflag:$0x5], $0x4000, $0x38;
	[tilespmem:$0x8600] =	vst v63  }
.Ltmp1:
0xd1: {  	_ =	swait.ge [sflag:s4], $0x4000;
	(pc) =	sbr.rel @p0 .LBB2_1-.Ltmp1, $4  }
0xd2: {  	[sflag:s4] =	ssyncset.done $0x0  }
0xd3: {  	[sflag:s4] =	ssyncadd.s32 $0xFFFFC000  }
0xd4: {  	_ =	swait.ge [sflag:s10], $0x4000  }
0xd5: {  	s1 =	sadd.s32 $0xFFFFFFFF, s1;
	[sflag:s10] =	ssyncset.done $0x0  }
.LBB2_2:
0xd6: {  	[sflag:s10] =	ssyncadd.s32 $0xFFFFC000  }
0xd7: {  	_ =	sfence.sel $0x180000  }
0xd8: {  	[bflag:$0x0] =	sbarrier.arrive $0xFFFF  }
0xd9: {  	_ =	strace $0x90000047  }
0xda: {  	s0 =	stileid.u32;
	[bflag:$0x2] =	sbarrier.arrive $0xFFFF  }
0xdb: {  	p0 =	sne.s32 s0, $0x0;
	s0 =	rddreg [dreg:$0x1]  }
0xdc: {  	s0 =	sadd.s32 @!p0 $0x100000, s0  }
0xdd: {  	[sflag:s0] =	ssyncadd.tile.s32 @!p0 $0x1;
	_ =	shalt  }
.Lfunc_end2:
_tile_overlayer_lowered:
.L_overlay_start_2:
0xde: {  	(tag) =	ssettag $0x2  }
0xdf: {  	s0 =	rddreg [dreg:$0x0];
	s2 =	stileid.u32  }
0xe0: {  	s1 =	rddreg [dreg:$0x1];
	p0 =	sne.s32 s2, $0x0  }
0xe1: {  	s3 =	rddreg [dreg:$0x2];
	[bflag:$0x3] =	sbarrier.arrive $0xFFFF;
	s2 =	simm.s32 @!p0 $0x1C05  }
0xe2: {  	[timem:s3], [sflag:s2] =	dma.local @!p0 [hbm:s0], s1  }
0xe3: {  	s0 =	simm.s32 @!p0 $0x5  }
0xe4: {  	_ =	swait.ge @!p0 [sflag:s0], s1  }
0xe5: {  	s1 =	ssub.s32 @!p0 $0x0, s1;
	[sflag:s0] =	ssyncset.done @!p0 $0x0  }
0xe6: {  	[sflag:s0] =	ssyncadd.s32 @!p0 s1  }
0xe7: {  	[bflag:$0x3] =	sbarrier.arrive $0xFFFF  }
0xe8: {  	_ =	shalt  }

</sc_bundles>
